<compile_context>
chip_gen: v7x
topology: tpu7x:2x2x1
jax: 0.10.2.dev20260603
libtpu: 0.0.44.dev20260713+nightly
codegen_flags: <defaults>
</compile_context>

<pallas_src>
import functools

import jax
import jax.numpy as jnp
from jax import lax
from jax.experimental import pallas as pl
from jax.experimental.pallas import tpu as pltpu, tpu_sc as plsc

_C = 80



def _mm1_body(x_ref, w_ref, o_ref):
    o_ref[...] = jnp.dot(x_ref[...], w_ref[...],
                         preferred_element_type=jnp.float32)


def _mm1(x, W, Npad, blk):
    N, K = x.shape
    F = W.shape[1]
    Fh = F // 2
    nb = N // blk
    npb = Npad // blk
    return pl.pallas_call(
        _mm1_body,
        grid=(2, nb),
        in_specs=[
            pl.BlockSpec((blk, K), lambda c, i: (i, 0)),
            pl.BlockSpec((K, Fh), lambda c, i: (0, c)),
        ],
        out_specs=pl.BlockSpec((blk, Fh),
                               lambda c, i, _npb=npb: (c * _npb + i, 0)),
        out_shape=jax.ShapeDtypeStruct((2 * Npad, Fh), jnp.float32),
        compiler_params=pltpu.CompilerParams(has_side_effects=True),
    )(x, W)


def _mm2_body(t_ref, b_ref, wt_ref, wb_ref, o_ref):
    o_ref[...] = (jnp.dot(t_ref[...], wt_ref[...],
                          preferred_element_type=jnp.float32)
                  + jnp.dot(b_ref[...], wb_ref[...],
                            preferred_element_type=jnp.float32))


def _mm2(h_stacked, W, N, Npad, blk):
    Kh = h_stacked.shape[1]
    F = W.shape[1]
    nb = N // blk
    npb = Npad // blk
    return pl.pallas_call(
        _mm2_body,
        grid=(nb,),
        in_specs=[
            pl.BlockSpec((blk, Kh), lambda i: (i, 0)),
            pl.BlockSpec((blk, Kh), lambda i, _npb=npb: (_npb + i, 0)),
            pl.BlockSpec((Kh, F), lambda i: (0, 0)),
            pl.BlockSpec((Kh, F), lambda i: (1, 0)),
        ],
        out_specs=pl.BlockSpec((blk, F), lambda i: (i, 0)),
        out_shape=jax.ShapeDtypeStruct((N, F), jnp.float32),
        compiler_params=pltpu.CompilerParams(has_side_effects=True),
    )(h_stacked, h_stacked, W, W)



@functools.cache
def _make_gcn_core(Npad, E, F):
    C = _C
    mesh = plsc.VectorSubcoreMesh(core_axis_name="c", subcore_axis_name="s")
    NS = mesh.num_subcores
    ept = E // NS
    steps = ept // C
    rpt = Npad // NS

    @functools.partial(
        pl.kernel,
        out_type=(jax.ShapeDtypeStruct((2 * Npad, F), jnp.float32),
                  jax.ShapeDtypeStruct((2 * Npad, F), jnp.float32)),
        mesh=mesh,
        scratch_types=[
            pltpu.VMEM((C,), jnp.int32),
            pltpu.VMEM((C,), jnp.int32),
            pltpu.VMEM((C, F), jnp.float32),
            pltpu.VMEM_SHARED((Npad, F), jnp.float32),
            pltpu.SemaphoreType.DMA,
        ],
        compiler_params=pltpu.CompilerParams(has_side_effects=True),
    )
    def k(g_hbm, e1_hbm, e2_hbm, h1_hbm, h2_hbm,
          src_v, dst_v, rows_v, accum, sem):
        c = lax.axis_index("c")
        s = lax.axis_index("s")
        r0 = s * rpt
        ebase = s * ept
        half = c * Npad

        def zero_accum():
            def zrow(r, cc):
                for j in range(F // 16):
                    rows_v[r, pl.ds(j * 16, 16)] = jnp.zeros((16,), jnp.float32)
                return cc
            lax.fori_loop(0, C, zrow, 0)

            def zcp(kk, cc):
                pltpu.sync_copy(rows_v, accum.at[pl.ds(r0 + kk * C, C)])
                return cc
            lax.fori_loop(0, rpt // C, zcp, 0)

        def edge_loop(e_hbm, h_hbm):
            def body(i, carry):
                off = ebase + i * C
                pltpu.sync_copy(e_hbm.at[pl.ds(off, C)], src_v)
                pltpu.sync_copy(e_hbm.at[pl.ds(E + off, C)], dst_v)
                for j in range(C // 16):
                    sl = pl.ds(j * 16, 16)
                    src_v[sl] = src_v[sl] + half
                pltpu.async_copy(h_hbm.at[src_v], rows_v, sem).wait()
                pltpu.sync_copy(rows_v, accum.at[dst_v], add=True)
                return carry
            lax.fori_loop(0, steps, body, 0)

        def writeback_relu(out_hbm):
            def wb(kk, carry):
                rbase = r0 + kk * C
                pltpu.sync_copy(accum.at[pl.ds(rbase, C)], rows_v)

                def relu_row(r, cc):
                    for j in range(F // 16):
                        sl = pl.ds(j * 16, 16)
                        rows_v[r, sl] = jnp.maximum(rows_v[r, sl], 0.0)
                    return cc

                lax.fori_loop(0, C, relu_row, 0)
                pltpu.sync_copy(rows_v, out_hbm.at[pl.ds(half + rbase, C)])
                return carry
            lax.fori_loop(0, rpt // C, wb, 0)

        zero_accum()
        plsc.subcore_barrier()
        edge_loop(e1_hbm, g_hbm)
        plsc.subcore_barrier()
        writeback_relu(h1_hbm)
        zero_accum()
        plsc.subcore_barrier()
        edge_loop(e2_hbm, h1_hbm)
        plsc.subcore_barrier()
        pltpu.sync_copy(accum.at[pl.ds(r0, rpt)],
                        h2_hbm.at[pl.ds(half + r0, rpt)])

    return k



def kernel(x, edge_index_1, edge_index_2, W1, W2):
    N = x.shape[0]
    E = edge_index_1.shape[1]
    Fh = W1.shape[1] // 2
    Npad = ((N + 127) // 128) * 128

    g = _mm1(x, W1, Npad, 80)
    g = g + 0.0
    _, h2 = _make_gcn_core(Npad, E, Fh)(
        g, edge_index_1.reshape(2 * E), edge_index_2.reshape(2 * E))
    return _mm2(h2 + 0.0, W2, N, Npad, 80)

# --- scband reference (transcript-rebuilt; emitter-appended) ---
"""Pipeline reference for scband-net-48086453846023 (READ-ONLY COPY).

The authoritative reference and input builder live on the scoring server;
editing this copy changes nothing except your own understanding.
"""

import jax, jax.numpy as jnp
import numpy as np
import math


def setup_inputs(seed: int = 0) -> dict:
    key = jax.random.key(seed)
    k1, k2, k3, k4, k5 = jax.random.split(key, 5)
    N = 10000
    E = 160000
    nfeat = 256
    nhid = 256
    nclass = 64
    x = jax.random.normal(k1, (N, nfeat), dtype=jnp.float32)
    edge_index_1 = jax.random.randint(k2, (2, E), 0, N, dtype=jnp.int32)
    edge_index_2 = jax.random.randint(k3, (2, E), 0, N, dtype=jnp.int32)
    stdv1 = 1.0 / math.sqrt(nhid)
    W1 = jax.random.uniform(k4, (nfeat, nhid), dtype=jnp.float32, minval=-stdv1, maxval=stdv1)
    stdv2 = 1.0 / math.sqrt(nclass)
    W2 = jax.random.uniform(k5, (nhid, nclass), dtype=jnp.float32, minval=-stdv2, maxval=stdv2)
    return {"x": x, "edge_index_1": edge_index_1, "edge_index_2": edge_index_2, "W1": W1, "W2": W2}


def _gcn_conv(x, edge_index, W):
    # x = x @ W, then propagate with aggr='add': message is x_j (source node),
    # scatter-added at destination nodes.
    h = x @ W
    src = edge_index[0]
    dst = edge_index[1]
    msg = jnp.take(h, src, axis=0)
    out = jax.ops.segment_sum(msg, dst, num_segments=x.shape[0])
    return out


def reference(x, edge_index_1, edge_index_2, W1, W2):
    h = _gcn_conv(x, edge_index_1, W1)
    h = jax.nn.relu(h)
    # F.dropout in eval mode is identity (deterministic reference)
    out = _gcn_conv(h, edge_index_2, W2)
    return out

if __name__ == "__main__":
    import jax
    _d = setup_inputs()
    print(jax.jit(kernel)(*tuple(_d.values())))

</pallas_src>

<mosaic_0001>
#map = affine_map<(d0, d1) -> (0, 0)>
#map1 = affine_map<(d0, d1) -> (0)>
module attributes {stable_mosaic.version = 14 : i64} {
  func.func @k(%arg0: i32, %arg1: i32, %arg2: memref<20224x128xf32, #tpu.memory_space<hbm>>, %arg3: memref<320000xi32, #tpu.memory_space<hbm>>, %arg4: memref<320000xi32, #tpu.memory_space<hbm>>, %arg5: memref<20224x128xf32, #tpu.memory_space<hbm>>, %arg6: memref<20224x128xf32, #tpu.memory_space<hbm>>, %arg7: memref<80xi32, #tpu.memory_space<vmem>>, %arg8: memref<80xi32, #tpu.memory_space<vmem>>, %arg9: memref<80x128xf32, #tpu.memory_space<vmem>>, %arg10: memref<10112x128xf32, #tpu.memory_space<vmem_shared>>, %arg11: memref<!tpu.dma_semaphore, #tpu.memory_space<semaphore_mem>>) attributes {dimension_semantics = [#tpu.dimension_semantics<core_parallel>, #tpu.dimension_semantics<subcore_parallel>], iteration_bounds = array<i64: 2, 16>, scalar_prefetch = 0 : i64, scratch_operands = 5 : i64, tpu.core_type = #tpu.core_type<sc_vector_subcore>, window_params = [{transform_indices = #map}, {transform_indices = #map1}, {transform_indices = #map1}, {transform_indices = #map}, {transform_indices = #map}]} {
    %mul3A = arith.constant 632 : i32
    %mul3A_0 = arith.muli %arg1, %mul3A : i32
    %mul3A_1 = arith.constant 10000 : i32
    %mul3A_2 = arith.muli %arg1, %mul3A_1 : i32
    %mul3A_3 = arith.constant 10112 : i32
    %mul3A_4 = arith.muli %arg0, %mul3A_3 : i32
    %scan3A = arith.constant 0 : i32
    %scan3A_5 = arith.constant 0 : i32
    %scan3A_6 = arith.constant 80 : i32
    %scan3A_7 = arith.addi %scan3A_5, %scan3A_6 : i32
    %scan3A_8 = arith.constant 1 : i32
    scf.for %scan3A_49 = %scan3A_5 to %scan3A_7 step %scan3A_8  : i32 {
      %broadcast_in_dim3A = arith.constant 0.000000e+00 : f32
      %broadcast_in_dim3A_50 = vector.broadcast %broadcast_in_dim3A : f32 to vector<16xf32>
      %swap3A = arith.index_cast %scan3A_49 : i32 to index
      %swap3A_51 = arith.constant 0 : index
      %swap3A_52 = tpu.vector_load %arg9[%swap3A, %swap3A_51] {strides = array<i32>} : memref<80x128xf32, #tpu.memory_space<vmem>>, vector<1x16xf32>,
      %swap3A_53 = vector.shape_cast %swap3A_52 : vector<1x16xf32> to vector<16xf32>
      %swap3A_54 = vector.shape_cast %broadcast_in_dim3A_50 : vector<16xf32> to vector<1x16xf32>
      tpu.vector_store %arg9[%swap3A, %swap3A_51], %swap3A_54 {strides = array<i32>} : memref<80x128xf32, #tpu.memory_space<vmem>>, vector<1x16xf32>,
      %broadcast_in_dim3A_55 = arith.constant 0.000000e+00 : f32
      %broadcast_in_dim3A_56 = vector.broadcast %broadcast_in_dim3A_55 : f32 to vector<16xf32>
      %swap3A_57 = arith.index_cast %scan3A_49 : i32 to index
      %swap3A_58 = arith.constant 16 : index
      %swap3A_59 = tpu.vector_load %arg9[%swap3A_57, %swap3A_58] {strides = array<i32>} : memref<80x128xf32, #tpu.memory_space<vmem>>, vector<1x16xf32>,
      %swap3A_60 = vector.shape_cast %swap3A_59 : vector<1x16xf32> to vector<16xf32>
      %swap3A_61 = vector.shape_cast %broadcast_in_dim3A_56 : vector<16xf32> to vector<1x16xf32>
      tpu.vector_store %arg9[%swap3A_57, %swap3A_58], %swap3A_61 {strides = array<i32>} : memref<80x128xf32, #tpu.memory_space<vmem>>, vector<1x16xf32>,
      %broadcast_in_dim3A_62 = arith.constant 0.000000e+00 : f32
      %broadcast_in_dim3A_63 = vector.broadcast %broadcast_in_dim3A_62 : f32 to vector<16xf32>
      %swap3A_64 = arith.index_cast %scan3A_49 : i32 to index
      %swap3A_65 = arith.constant 32 : index
      %swap3A_66 = tpu.vector_load %arg9[%swap3A_64, %swap3A_65] {strides = array<i32>} : memref<80x128xf32, #tpu.memory_space<vmem>>, vector<1x16xf32>,
      %swap3A_67 = vector.shape_cast %swap3A_66 : vector<1x16xf32> to vector<16xf32>
      %swap3A_68 = vector.shape_cast %broadcast_in_dim3A_63 : vector<16xf32> to vector<1x16xf32>
      tpu.vector_store %arg9[%swap3A_64, %swap3A_65], %swap3A_68 {strides = array<i32>} : memref<80x128xf32, #tpu.memory_space<vmem>>, vector<1x16xf32>,
      %broadcast_in_dim3A_69 = arith.constant 0.000000e+00 : f32
      %broadcast_in_dim3A_70 = vector.broadcast %broadcast_in_dim3A_69 : f32 to vector<16xf32>
      %swap3A_71 = arith.index_cast %scan3A_49 : i32 to index
      %swap3A_72 = arith.constant 48 : index
      %swap3A_73 = tpu.vector_load %arg9[%swap3A_71, %swap3A_72] {strides = array<i32>} : memref<80x128xf32, #tpu.memory_space<vmem>>, vector<1x16xf32>,
      %swap3A_74 = vector.shape_cast %swap3A_73 : vector<1x16xf32> to vector<16xf32>
      %swap3A_75 = vector.shape_cast %broadcast_in_dim3A_70 : vector<16xf32> to vector<1x16xf32>
      tpu.vector_store %arg9[%swap3A_71, %swap3A_72], %swap3A_75 {strides = array<i32>} : memref<80x128xf32, #tpu.memory_space<vmem>>, vector<1x16xf32>,
      %broadcast_in_dim3A_76 = arith.constant 0.000000e+00 : f32
      %broadcast_in_dim3A_77 = vector.broadcast %broadcast_in_dim3A_76 : f32 to vector<16xf32>
      %swap3A_78 = arith.index_cast %scan3A_49 : i32 to index
      %swap3A_79 = arith.constant 64 : index
      %swap3A_80 = tpu.vector_load %arg9[%swap3A_78, %swap3A_79] {strides = array<i32>} : memref<80x128xf32, #tpu.memory_space<vmem>>, vector<1x16xf32>,
      %swap3A_81 = vector.shape_cast %swap3A_80 : vector<1x16xf32> to vector<16xf32>
      %swap3A_82 = vector.shape_cast %broadcast_in_dim3A_77 : vector<16xf32> to vector<1x16xf32>
      tpu.vector_store %arg9[%swap3A_78, %swap3A_79], %swap3A_82 {strides = array<i32>} : memref<80x128xf32, #tpu.memory_space<vmem>>, vector<1x16xf32>,
      %broadcast_in_dim3A_83 = arith.constant 0.000000e+00 : f32
      %broadcast_in_dim3A_84 = vector.broadcast %broadcast_in_dim3A_83 : f32 to vector<16xf32>
      %swap3A_85 = arith.index_cast %scan3A_49 : i32 to index
      %swap3A_86 = arith.constant 80 : index
      %swap3A_87 = tpu.vector_load %arg9[%swap3A_85, %swap3A_86] {strides = array<i32>} : memref<80x128xf32, #tpu.memory_space<vmem>>, vector<1x16xf32>,
      %swap3A_88 = vector.shape_cast %swap3A_87 : vector<1x16xf32> to vector<16xf32>
      %swap3A_89 = vector.shape_cast %broadcast_in_dim3A_84 : vector<16xf32> to vector<1x16xf32>
      tpu.vector_store %arg9[%swap3A_85, %swap3A_86], %swap3A_89 {strides = array<i32>} : memref<80x128xf32, #tpu.memory_space<vmem>>, vector<1x16xf32>,
      %broadcast_in_dim3A_90 = arith.constant 0.000000e+00 : f32
      %broadcast_in_dim3A_91 = vector.broadcast %broadcast_in_dim3A_90 : f32 to vector<16xf32>
      %swap3A_92 = arith.index_cast %scan3A_49 : i32 to index
      %swap3A_93 = arith.constant 96 : index
      %swap3A_94 = tpu.vector_load %arg9[%swap3A_92, %swap3A_93] {strides = array<i32>} : memref<80x128xf32, #tpu.memory_space<vmem>>, vector<1x16xf32>,
      %swap3A_95 = vector.shape_cast %swap3A_94 : vector<1x16xf32> to vector<16xf32>
      %swap3A_96 = vector.shape_cast %broadcast_in_dim3A_91 : vector<16xf32> to vector<1x16xf32>
      tpu.vector_store %arg9[%swap3A_92, %swap3A_93], %swap3A_96 {strides = array<i32>} : memref<80x128xf32, #tpu.memory_space<vmem>>, vector<1x16xf32>,
      %broadcast_in_dim3A_97 = arith.constant 0.000000e+00 : f32
      %broadcast_in_dim3A_98 = vector.broadcast %broadcast_in_dim3A_97 : f32 to vector<16xf32>
      %swap3A_99 = arith.index_cast %scan3A_49 : i32 to index
      %swap3A_100 = arith.constant 112 : index
      %swap3A_101 = tpu.vector_load %arg9[%swap3A_99, %swap3A_100] {strides = array<i32>} : memref<80x128xf32, #tpu.memory_space<vmem>>, vector<1x16xf32>,
      %swap3A_102 = vector.shape_cast %swap3A_101 : vector<1x16xf32> to vector<16xf32>
      %swap3A_103 = vector.shape_cast %broadcast_in_dim3A_98 : vector<16xf32> to vector<1x16xf32>
      tpu.vector_store %arg9[%swap3A_99, %swap3A_100], %swap3A_103 {strides = array<i32>} : memref<80x128xf32, #tpu.memory_space<vmem>>, vector<1x16xf32>,
    }
    %scan3A_9 = arith.constant 80 : i32
    %scan3A_10 = arith.constant 0 : i32
    %scan3A_11 = arith.constant 0 : i32
    %scan3A_12 = arith.constant 7 : i32
    %scan3A_13 = arith.addi %scan3A_11, %scan3A_12 : i32
    %scan3A_14 = arith.constant 1 : i32
    scf.for %scan3A_49 = %scan3A_11 to %scan3A_13 step %scan3A_14  : i32 {
      %mul3A_50 = arith.constant 80 : i32
      %mul3A_51 = arith.muli %scan3A_49, %mul3A_50 : i32
      %add3A_52 = arith.addi %mul3A_0, %mul3A_51 : i32
      "tpu.region"() ({
        %run_scoped3A = tpu.sem_alloc : memref<!tpu.dma_semaphore, #tpu.memory_space<semaphore_mem>>
        %dma_start3A = arith.constant 0 : i32
        %dma_start3A_53 = tpu.memref_slice %arg10[%add3A_52, %dma_start3A] : memref<10112x128xf32, #tpu.memory_space<vmem_shared>> -> memref<80x128xf32, #tpu.memory_space<vmem_shared>>
        %dma_start3A_54 = arith.constant 0 : i32
        %dma_start3A_55 = tpu.memref_slice %arg10[%add3A_52, %dma_start3A_54] : memref<10112x128xf32, #tpu.memory_space<vmem_shared>> -> memref<80x128xf32, #tpu.memory_space<vmem_shared>>
        tpu.enqueue_dma source(%arg9 : memref<80x128xf32, #tpu.memory_space<vmem>>) target(%dma_start3A_55 : memref<80x128xf32, #tpu.memory_space<vmem_shared>>) target_semaphore(%run_scoped3A : memref<!tpu.dma_semaphore, #tpu.memory_space<semaphore_mem>>)
        %dma_wait3A = arith.constant 0 : i32
        %dma_wait3A_56 = tpu.memref_slice %arg10[%add3A_52, %dma_wait3A] : memref<10112x128xf32, #tpu.memory_space<vmem_shared>> -> memref<80x128xf32, #tpu.memory_space<vmem_shared>>
        %dma_wait3A_57 = arith.constant 0 : i32
        %dma_wait3A_58 = tpu.memref_slice %arg10[%add3A_52, %dma_wait3A_57] : memref<10112x128xf32, #tpu.memory_space<vmem_shared>> -> memref<80x128xf32, #tpu.memory_space<vmem_shared>>
        tpu.wait_dma2 semaphore(%run_scoped3A : memref<!tpu.dma_semaphore, #tpu.memory_space<semaphore_mem>>) src(%arg9 : memref<80x128xf32, #tpu.memory_space<vmem>>) dst(%dma_wait3A_58 : memref<80x128xf32, #tpu.memory_space<vmem_shared>>)
        tpu.yield
      }) : () -> ()
    }
    %scan3A_15 = arith.constant 7 : i32
    %barrier3A = arith.constant 0 : index
    tpu.barrier barrier_id(%barrier3A)
    %scan3A_16 = arith.constant 0 : i32
    %scan3A_17 = arith.constant 0 : i32
    %scan3A_18 = arith.constant 125 : i32
    %scan3A_19 = arith.addi %scan3A_17, %scan3A_18 : i32
    %scan3A_20 = arith.constant 1 : i32
    scf.for %scan3A_49 = %scan3A_17 to %scan3A_19 step %scan3A_20  : i32 {
      %mul3A_50 = arith.constant 80 : i32
      %mul3A_51 = arith.muli %scan3A_49, %mul3A_50 : i32
      %add3A_52 = arith.addi %mul3A_2, %mul3A_51 : i32
      "tpu.region"() ({
        %run_scoped3A = tpu.sem_alloc : memref<!tpu.dma_semaphore, #tpu.memory_space<semaphore_mem>>
        %dma_start3A_102 = tpu.memref_slice %arg3[%add3A_52] : memref<320000xi32, #tpu.memory_space<hbm>> -> memref<80xi32, #tpu.memory_space<hbm>>
        %dma_start3A_103 = tpu.memref_slice %arg3[%add3A_52] : memref<320000xi32, #tpu.memory_space<hbm>> -> memref<80xi32, #tpu.memory_space<hbm>>
        tpu.enqueue_dma source(%dma_start3A_103 : memref<80xi32, #tpu.memory_space<hbm>>) target(%arg7 : memref<80xi32, #tpu.memory_space<vmem>>) target_semaphore(%run_scoped3A : memref<!tpu.dma_semaphore, #tpu.memory_space<semaphore_mem>>)
        %dma_wait3A_104 = tpu.memref_slice %arg3[%add3A_52] : memref<320000xi32, #tpu.memory_space<hbm>> -> memref<80xi32, #tpu.memory_space<hbm>>
        %dma_wait3A_105 = tpu.memref_slice %arg3[%add3A_52] : memref<320000xi32, #tpu.memory_space<hbm>> -> memref<80xi32, #tpu.memory_space<hbm>>
        tpu.wait_dma2 semaphore(%run_scoped3A : memref<!tpu.dma_semaphore, #tpu.memory_space<semaphore_mem>>) src(%dma_wait3A_105 : memref<80xi32, #tpu.memory_space<hbm>>) dst(%arg7 : memref<80xi32, #tpu.memory_space<vmem>>)
        tpu.yield
      }) : () -> ()
      %add3A_53 = arith.constant 160000 : i32
      %add3A_54 = arith.addi %add3A_53, %add3A_52 : i32
      "tpu.region"() ({
        %run_scoped3A = tpu.sem_alloc : memref<!tpu.dma_semaphore, #tpu.memory_space<semaphore_mem>>
        %dma_start3A_102 = tpu.memref_slice %arg3[%add3A_54] : memref<320000xi32, #tpu.memory_space<hbm>> -> memref<80xi32, #tpu.memory_space<hbm>>
        %dma_start3A_103 = tpu.memref_slice %arg3[%add3A_54] : memref<320000xi32, #tpu.memory_space<hbm>> -> memref<80xi32, #tpu.memory_space<hbm>>
        tpu.enqueue_dma source(%dma_start3A_103 : memref<80xi32, #tpu.memory_space<hbm>>) target(%arg8 : memref<80xi32, #tpu.memory_space<vmem>>) target_semaphore(%run_scoped3A : memref<!tpu.dma_semaphore, #tpu.memory_space<semaphore_mem>>)
        %dma_wait3A_104 = tpu.memref_slice %arg3[%add3A_54] : memref<320000xi32, #tpu.memory_space<hbm>> -> memref<80xi32, #tpu.memory_space<hbm>>
        %dma_wait3A_105 = tpu.memref_slice %arg3[%add3A_54] : memref<320000xi32, #tpu.memory_space<hbm>> -> memref<80xi32, #tpu.memory_space<hbm>>
        tpu.wait_dma2 semaphore(%run_scoped3A : memref<!tpu.dma_semaphore, #tpu.memory_space<semaphore_mem>>) src(%dma_wait3A_105 : memref<80xi32, #tpu.memory_space<hbm>>) dst(%arg8 : memref<80xi32, #tpu.memory_space<vmem>>)
        tpu.yield
      }) : () -> ()
      %get3A = arith.constant 0 : index
      %get3A_55 = tpu.vector_load %arg7[%get3A] {strides = array<i32>} : memref<80xi32, #tpu.memory_space<vmem>>, vector<16xi32>,
      %get3A_56 = vector.shape_cast %get3A_55 : vector<16xi32> to vector<16xi32>
      %add3A_57 = vector.broadcast %mul3A_4 : i32 to vector<16xi32>
      %add3A_58 = arith.addi %get3A_56, %add3A_57 : vector<16xi32>
      %swap3A = arith.constant 0 : index
      %swap3A_59 = tpu.vector_load %arg7[%swap3A] {strides = array<i32>} : memref<80xi32, #tpu.memory_space<vmem>>, vector<16xi32>,
      %swap3A_60 = vector.shape_cast %swap3A_59 : vector<16xi32> to vector<16xi32>
      %swap3A_61 = vector.shape_cast %add3A_58 : vector<16xi32> to vector<16xi32>
      tpu.vector_store %arg7[%swap3A], %swap3A_61 {strides = array<i32>} : memref<80xi32, #tpu.memory_space<vmem>>, vector<16xi32>,
      %get3A_62 = arith.constant 16 : index
      %get3A_63 = tpu.vector_load %arg7[%get3A_62] {strides = array<i32>} : memref<80xi32, #tpu.memory_space<vmem>>, vector<16xi32>,
      %get3A_64 = vector.shape_cast %get3A_63 : vector<16xi32> to vector<16xi32>
      %add3A_65 = vector.broadcast %mul3A_4 : i32 to vector<16xi32>
      %add3A_66 = arith.addi %get3A_64, %add3A_65 : vector<16xi32>
      %swap3A_67 = arith.constant 16 : index
      %swap3A_68 = tpu.vector_load %arg7[%swap3A_67] {strides = array<i32>} : memref<80xi32, #tpu.memory_space<vmem>>, vector<16xi32>,
      %swap3A_69 = vector.shape_cast %swap3A_68 : vector<16xi32> to vector<16xi32>
      %swap3A_70 = vector.shape_cast %add3A_66 : vector<16xi32> to vector<16xi32>
      tpu.vector_store %arg7[%swap3A_67], %swap3A_70 {strides = array<i32>} : memref<80xi32, #tpu.memory_space<vmem>>, vector<16xi32>,
      %get3A_71 = arith.constant 32 : index
      %get3A_72 = tpu.vector_load %arg7[%get3A_71] {strides = array<i32>} : memref<80xi32, #tpu.memory_space<vmem>>, vector<16xi32>,
      %get3A_73 = vector.shape_cast %get3A_72 : vector<16xi32> to vector<16xi32>
      %add3A_74 = vector.broadcast %mul3A_4 : i32 to vector<16xi32>
      %add3A_75 = arith.addi %get3A_73, %add3A_74 : vector<16xi32>
      %swap3A_76 = arith.constant 32 : index
      %swap3A_77 = tpu.vector_load %arg7[%swap3A_76] {strides = array<i32>} : memref<80xi32, #tpu.memory_space<vmem>>, vector<16xi32>,
      %swap3A_78 = vector.shape_cast %swap3A_77 : vector<16xi32> to vector<16xi32>
      %swap3A_79 = vector.shape_cast %add3A_75 : vector<16xi32> to vector<16xi32>
      tpu.vector_store %arg7[%swap3A_76], %swap3A_79 {strides = array<i32>} : memref<80xi32, #tpu.memory_space<vmem>>, vector<16xi32>,
      %get3A_80 = arith.constant 48 : index
      %get3A_81 = tpu.vector_load %arg7[%get3A_80] {strides = array<i32>} : memref<80xi32, #tpu.memory_space<vmem>>, vector<16xi32>,
      %get3A_82 = vector.shape_cast %get3A_81 : vector<16xi32> to vector<16xi32>
      %add3A_83 = vector.broadcast %mul3A_4 : i32 to vector<16xi32>
      %add3A_84 = arith.addi %get3A_82, %add3A_83 : vector<16xi32>
      %swap3A_85 = arith.constant 48 : index
      %swap3A_86 = tpu.vector_load %arg7[%swap3A_85] {strides = array<i32>} : memref<80xi32, #tpu.memory_space<vmem>>, vector<16xi32>,
      %swap3A_87 = vector.shape_cast %swap3A_86 : vector<16xi32> to vector<16xi32>
      %swap3A_88 = vector.shape_cast %add3A_84 : vector<16xi32> to vector<16xi32>
      tpu.vector_store %arg7[%swap3A_85], %swap3A_88 {strides = array<i32>} : memref<80xi32, #tpu.memory_space<vmem>>, vector<16xi32>,
      %get3A_89 = arith.constant 64 : index
      %get3A_90 = tpu.vector_load %arg7[%get3A_89] {strides = array<i32>} : memref<80xi32, #tpu.memory_space<vmem>>, vector<16xi32>,
      %get3A_91 = vector.shape_cast %get3A_90 : vector<16xi32> to vector<16xi32>
      %add3A_92 = vector.broadcast %mul3A_4 : i32 to vector<16xi32>
      %add3A_93 = arith.addi %get3A_91, %add3A_92 : vector<16xi32>
      %swap3A_94 = arith.constant 64 : index
      %swap3A_95 = tpu.vector_load %arg7[%swap3A_94] {strides = array<i32>} : memref<80xi32, #tpu.memory_space<vmem>>, vector<16xi32>,
      %swap3A_96 = vector.shape_cast %swap3A_95 : vector<16xi32> to vector<16xi32>
      %swap3A_97 = vector.shape_cast %add3A_93 : vector<16xi32> to vector<16xi32>
      tpu.vector_store %arg7[%swap3A_94], %swap3A_97 {strides = array<i32>} : memref<80xi32, #tpu.memory_space<vmem>>, vector<16xi32>,
      %dma_start3A = arith.constant 0 : i32
      %dma_start3A_98 = arith.constant 0 : i32
      %dma_start3A_99 = tpu.memref_slice %arg2[%dma_start3A, %dma_start3A_98] : memref<20224x128xf32, #tpu.memory_space<hbm>> -> memref<20224x128xf32, #tpu.memory_space<hbm>>
      tpu.enqueue_indirect_dma source(%dma_start3A_99 : memref<20224x128xf32, #tpu.memory_space<hbm>>) target(%arg9 : memref<80x128xf32, #tpu.memory_space<vmem>>) offsets(%arg7 : memref<80xi32, #tpu.memory_space<vmem>>) semaphore(%arg11 : memref<!tpu.dma_semaphore, #tpu.memory_space<semaphore_mem>>)
      %dma_wait3A = arith.constant 0 : i32
      %dma_wait3A_100 = arith.constant 0 : i32
      %dma_wait3A_101 = tpu.memref_slice %arg2[%dma_wait3A, %dma_wait3A_100] : memref<20224x128xf32, #tpu.memory_space<hbm>> -> memref<20224x128xf32, #tpu.memory_space<hbm>>
      tpu.wait_indirect_dma semaphore(%arg11 : memref<!tpu.dma_semaphore, #tpu.memory_space<semaphore_mem>>) src(%dma_wait3A_101 : memref<20224x128xf32, #tpu.memory_space<hbm>>) dst(%arg9 : memref<80x128xf32, #tpu.memory_space<vmem>>)
      "tpu.region"() ({
        %run_scoped3A = tpu.sem_alloc : memref<!tpu.dma_semaphore, #tpu.memory_space<semaphore_mem>>
        %dma_start3A_102 = arith.constant 0 : i32
        %dma_start3A_103 = arith.constant 0 : i32
        %dma_start3A_104 = tpu.memref_slice %arg10[%dma_start3A_102, %dma_start3A_103] : memref<10112x128xf32, #tpu.memory_space<vmem_shared>> -> memref<10112x128xf32, #tpu.memory_space<vmem_shared>>
        tpu.enqueue_indirect_dma source(%arg9 : memref<80x128xf32, #tpu.memory_space<vmem>>) target(%dma_start3A_104 : memref<10112x128xf32, #tpu.memory_space<vmem_shared>>) offsets(%arg8 : memref<80xi32, #tpu.memory_space<vmem>>) semaphore(%run_scoped3A : memref<!tpu.dma_semaphore, #tpu.memory_space<semaphore_mem>>) {add = true}
        %dma_wait3A_105 = arith.constant 0 : i32
        %dma_wait3A_106 = arith.constant 0 : i32
        %dma_wait3A_107 = tpu.memref_slice %arg10[%dma_wait3A_105, %dma_wait3A_106] : memref<10112x128xf32, #tpu.memory_space<vmem_shared>> -> memref<10112x128xf32, #tpu.memory_space<vmem_shared>>
        tpu.wait_indirect_dma semaphore(%run_scoped3A : memref<!tpu.dma_semaphore, #tpu.memory_space<semaphore_mem>>) src(%arg9 : memref<80x128xf32, #tpu.memory_space<vmem>>) dst(%dma_wait3A_107 : memref<10112x128xf32, #tpu.memory_space<vmem_shared>>)
        tpu.yield
      }) : () -> ()
    }
    %scan3A_21 = arith.constant 125 : i32
    %barrier3A_22 = arith.constant 0 : index
    tpu.barrier barrier_id(%barrier3A_22)
    %scan3A_23 = arith.constant 0 : i32
    %scan3A_24 = arith.constant 0 : i32
    %scan3A_25 = arith.constant 7 : i32
    %scan3A_26 = arith.addi %scan3A_24, %scan3A_25 : i32
    %scan3A_27 = arith.constant 1 : i32
    scf.for %scan3A_49 = %scan3A_24 to %scan3A_26 step %scan3A_27  : i32 {
      %mul3A_50 = arith.constant 80 : i32
      %mul3A_51 = arith.muli %scan3A_49, %mul3A_50 : i32
      %add3A_52 = arith.addi %mul3A_0, %mul3A_51 : i32
      "tpu.region"() ({
        %run_scoped3A = tpu.sem_alloc : memref<!tpu.dma_semaphore, #tpu.memory_space<semaphore_mem>>
        %dma_start3A = arith.constant 0 : i32
        %dma_start3A_60 = tpu.memref_slice %arg10[%add3A_52, %dma_start3A] : memref<10112x128xf32, #tpu.memory_space<vmem_shared>> -> memref<80x128xf32, #tpu.memory_space<vmem_shared>>
        %dma_start3A_61 = arith.constant 0 : i32
        %dma_start3A_62 = tpu.memref_slice %arg10[%add3A_52, %dma_start3A_61] : memref<10112x128xf32, #tpu.memory_space<vmem_shared>> -> memref<80x128xf32, #tpu.memory_space<vmem_shared>>
        tpu.enqueue_dma source(%dma_start3A_62 : memref<80x128xf32, #tpu.memory_space<vmem_shared>>) target(%arg9 : memref<80x128xf32, #tpu.memory_space<vmem>>) target_semaphore(%run_scoped3A : memref<!tpu.dma_semaphore, #tpu.memory_space<semaphore_mem>>)
        %dma_wait3A = arith.constant 0 : i32
        %dma_wait3A_63 = tpu.memref_slice %arg10[%add3A_52, %dma_wait3A] : memref<10112x128xf32, #tpu.memory_space<vmem_shared>> -> memref<80x128xf32, #tpu.memory_space<vmem_shared>>
        %dma_wait3A_64 = arith.constant 0 : i32
        %dma_wait3A_65 = tpu.memref_slice %arg10[%add3A_52, %dma_wait3A_64] : memref<10112x128xf32, #tpu.memory_space<vmem_shared>> -> memref<80x128xf32, #tpu.memory_space<vmem_shared>>
        tpu.wait_dma2 semaphore(%run_scoped3A : memref<!tpu.dma_semaphore, #tpu.memory_space<semaphore_mem>>) src(%dma_wait3A_65 : memref<80x128xf32, #tpu.memory_space<vmem_shared>>) dst(%arg9 : memref<80x128xf32, #tpu.memory_space<vmem>>)
        tpu.yield
      }) : () -> ()
      %scan3A_53 = arith.constant 0 : i32
      %scan3A_54 = arith.constant 0 : i32
      %scan3A_55 = arith.constant 80 : i32
      %scan3A_56 = arith.addi %scan3A_54, %scan3A_55 : i32
      %scan3A_57 = arith.constant 1 : i32
      scf.for %scan3A_60 = %scan3A_54 to %scan3A_56 step %scan3A_57  : i32 {
        %get3A = arith.index_cast %scan3A_60 : i32 to index
        %get3A_61 = arith.constant 0 : index
        %get3A_62 = tpu.vector_load %arg9[%get3A, %get3A_61] {strides = array<i32>} : memref<80x128xf32, #tpu.memory_space<vmem>>, vector<1x16xf32>,
        %get3A_63 = vector.shape_cast %get3A_62 : vector<1x16xf32> to vector<16xf32>
        %max3A = arith.constant 0.000000e+00 : f32
        %max3A_64 = vector.broadcast %max3A : f32 to vector<16xf32>
        %max3A_65 = arith.maximumf %get3A_63, %max3A_64 : vector<16xf32>
        %swap3A = arith.index_cast %scan3A_60 : i32 to index
        %swap3A_66 = arith.constant 0 : index
        %swap3A_67 = tpu.vector_load %arg9[%swap3A, %swap3A_66] {strides = array<i32>} : memref<80x128xf32, #tpu.memory_space<vmem>>, vector<1x16xf32>,
        %swap3A_68 = vector.shape_cast %swap3A_67 : vector<1x16xf32> to vector<16xf32>
        %swap3A_69 = vector.shape_cast %max3A_65 : vector<16xf32> to vector<1x16xf32>
        tpu.vector_store %arg9[%swap3A, %swap3A_66], %swap3A_69 {strides = array<i32>} : memref<80x128xf32, #tpu.memory_space<vmem>>, vector<1x16xf32>,
        %get3A_70 = arith.index_cast %scan3A_60 : i32 to index
        %get3A_71 = arith.constant 16 : index
        %get3A_72 = tpu.vector_load %arg9[%get3A_70, %get3A_71] {strides = array<i32>} : memref<80x128xf32, #tpu.memory_space<vmem>>, vector<1x16xf32>,
        %get3A_73 = vector.shape_cast %get3A_72 : vector<1x16xf32> to vector<16xf32>
        %max3A_74 = arith.constant 0.000000e+00 : f32
        %max3A_75 = vector.broadcast %max3A_74 : f32 to vector<16xf32>
        %max3A_76 = arith.maximumf %get3A_73, %max3A_75 : vector<16xf32>
        %swap3A_77 = arith.index_cast %scan3A_60 : i32 to index
        %swap3A_78 = arith.constant 16 : index
        %swap3A_79 = tpu.vector_load %arg9[%swap3A_77, %swap3A_78] {strides = array<i32>} : memref<80x128xf32, #tpu.memory_space<vmem>>, vector<1x16xf32>,
        %swap3A_80 = vector.shape_cast %swap3A_79 : vector<1x16xf32> to vector<16xf32>
        %swap3A_81 = vector.shape_cast %max3A_76 : vector<16xf32> to vector<1x16xf32>
        tpu.vector_store %arg9[%swap3A_77, %swap3A_78], %swap3A_81 {strides = array<i32>} : memref<80x128xf32, #tpu.memory_space<vmem>>, vector<1x16xf32>,
        %get3A_82 = arith.index_cast %scan3A_60 : i32 to index
        %get3A_83 = arith.constant 32 : index
        %get3A_84 = tpu.vector_load %arg9[%get3A_82, %get3A_83] {strides = array<i32>} : memref<80x128xf32, #tpu.memory_space<vmem>>, vector<1x16xf32>,
        %get3A_85 = vector.shape_cast %get3A_84 : vector<1x16xf32> to vector<16xf32>
        %max3A_86 = arith.constant 0.000000e+00 : f32
        %max3A_87 = vector.broadcast %max3A_86 : f32 to vector<16xf32>
        %max3A_88 = arith.maximumf %get3A_85, %max3A_87 : vector<16xf32>
        %swap3A_89 = arith.index_cast %scan3A_60 : i32 to index
        %swap3A_90 = arith.constant 32 : index
        %swap3A_91 = tpu.vector_load %arg9[%swap3A_89, %swap3A_90] {strides = array<i32>} : memref<80x128xf32, #tpu.memory_space<vmem>>, vector<1x16xf32>,
        %swap3A_92 = vector.shape_cast %swap3A_91 : vector<1x16xf32> to vector<16xf32>
        %swap3A_93 = vector.shape_cast %max3A_88 : vector<16xf32> to vector<1x16xf32>
        tpu.vector_store %arg9[%swap3A_89, %swap3A_90], %swap3A_93 {strides = array<i32>} : memref<80x128xf32, #tpu.memory_space<vmem>>, vector<1x16xf32>,
        %get3A_94 = arith.index_cast %scan3A_60 : i32 to index
        %get3A_95 = arith.constant 48 : index
        %get3A_96 = tpu.vector_load %arg9[%get3A_94, %get3A_95] {strides = array<i32>} : memref<80x128xf32, #tpu.memory_space<vmem>>, vector<1x16xf32>,
        %get3A_97 = vector.shape_cast %get3A_96 : vector<1x16xf32> to vector<16xf32>
        %max3A_98 = arith.constant 0.000000e+00 : f32
        %max3A_99 = vector.broadcast %max3A_98 : f32 to vector<16xf32>
        %max3A_100 = arith.maximumf %get3A_97, %max3A_99 : vector<16xf32>
        %swap3A_101 = arith.index_cast %scan3A_60 : i32 to index
        %swap3A_102 = arith.constant 48 : index
        %swap3A_103 = tpu.vector_load %arg9[%swap3A_101, %swap3A_102] {strides = array<i32>} : memref<80x128xf32, #tpu.memory_space<vmem>>, vector<1x16xf32>,
        %swap3A_104 = vector.shape_cast %swap3A_103 : vector<1x16xf32> to vector<16xf32>
        %swap3A_105 = vector.shape_cast %max3A_100 : vector<16xf32> to vector<1x16xf32>
        tpu.vector_store %arg9[%swap3A_101, %swap3A_102], %swap3A_105 {strides = array<i32>} : memref<80x128xf32, #tpu.memory_space<vmem>>, vector<1x16xf32>,
        %get3A_106 = arith.index_cast %scan3A_60 : i32 to index
        %get3A_107 = arith.constant 64 : index
        %get3A_108 = tpu.vector_load %arg9[%get3A_106, %get3A_107] {strides = array<i32>} : memref<80x128xf32, #tpu.memory_space<vmem>>, vector<1x16xf32>,
        %get3A_109 = vector.shape_cast %get3A_108 : vector<1x16xf32> to vector<16xf32>
        %max3A_110 = arith.constant 0.000000e+00 : f32
        %max3A_111 = vector.broadcast %max3A_110 : f32 to vector<16xf32>
        %max3A_112 = arith.maximumf %get3A_109, %max3A_111 : vector<16xf32>
        %swap3A_113 = arith.index_cast %scan3A_60 : i32 to index
        %swap3A_114 = arith.constant 64 : index
        %swap3A_115 = tpu.vector_load %arg9[%swap3A_113, %swap3A_114] {strides = array<i32>} : memref<80x128xf32, #tpu.memory_space<vmem>>, vector<1x16xf32>,
        %swap3A_116 = vector.shape_cast %swap3A_115 : vector<1x16xf32> to vector<16xf32>
        %swap3A_117 = vector.shape_cast %max3A_112 : vector<16xf32> to vector<1x16xf32>
        tpu.vector_store %arg9[%swap3A_113, %swap3A_114], %swap3A_117 {strides = array<i32>} : memref<80x128xf32, #tpu.memory_space<vmem>>, vector<1x16xf32>,
        %get3A_118 = arith.index_cast %scan3A_60 : i32 to index
        %get3A_119 = arith.constant 80 : index
        %get3A_120 = tpu.vector_load %arg9[%get3A_118, %get3A_119] {strides = array<i32>} : memref<80x128xf32, #tpu.memory_space<vmem>>, vector<1x16xf32>,
        %get3A_121 = vector.shape_cast %get3A_120 : vector<1x16xf32> to vector<16xf32>
        %max3A_122 = arith.constant 0.000000e+00 : f32
        %max3A_123 = vector.broadcast %max3A_122 : f32 to vector<16xf32>
        %max3A_124 = arith.maximumf %get3A_121, %max3A_123 : vector<16xf32>
        %swap3A_125 = arith.index_cast %scan3A_60 : i32 to index
        %swap3A_126 = arith.constant 80 : index
        %swap3A_127 = tpu.vector_load %arg9[%swap3A_125, %swap3A_126] {strides = array<i32>} : memref<80x128xf32, #tpu.memory_space<vmem>>, vector<1x16xf32>,
        %swap3A_128 = vector.shape_cast %swap3A_127 : vector<1x16xf32> to vector<16xf32>
        %swap3A_129 = vector.shape_cast %max3A_124 : vector<16xf32> to vector<1x16xf32>
        tpu.vector_store %arg9[%swap3A_125, %swap3A_126], %swap3A_129 {strides = array<i32>} : memref<80x128xf32, #tpu.memory_space<vmem>>, vector<1x16xf32>,
        %get3A_130 = arith.index_cast %scan3A_60 : i32 to index
        %get3A_131 = arith.constant 96 : index
        %get3A_132 = tpu.vector_load %arg9[%get3A_130, %get3A_131] {strides = array<i32>} : memref<80x128xf32, #tpu.memory_space<vmem>>, vector<1x16xf32>,
        %get3A_133 = vector.shape_cast %get3A_132 : vector<1x16xf32> to vector<16xf32>
        %max3A_134 = arith.constant 0.000000e+00 : f32
        %max3A_135 = vector.broadcast %max3A_134 : f32 to vector<16xf32>
        %max3A_136 = arith.maximumf %get3A_133, %max3A_135 : vector<16xf32>
        %swap3A_137 = arith.index_cast %scan3A_60 : i32 to index
        %swap3A_138 = arith.constant 96 : index
        %swap3A_139 = tpu.vector_load %arg9[%swap3A_137, %swap3A_138] {strides = array<i32>} : memref<80x128xf32, #tpu.memory_space<vmem>>, vector<1x16xf32>,
        %swap3A_140 = vector.shape_cast %swap3A_139 : vector<1x16xf32> to vector<16xf32>
        %swap3A_141 = vector.shape_cast %max3A_136 : vector<16xf32> to vector<1x16xf32>
        tpu.vector_store %arg9[%swap3A_137, %swap3A_138], %swap3A_141 {strides = array<i32>} : memref<80x128xf32, #tpu.memory_space<vmem>>, vector<1x16xf32>,
        %get3A_142 = arith.index_cast %scan3A_60 : i32 to index
        %get3A_143 = arith.constant 112 : index
        %get3A_144 = tpu.vector_load %arg9[%get3A_142, %get3A_143] {strides = array<i32>} : memref<80x128xf32, #tpu.memory_space<vmem>>, vector<1x16xf32>,
        %get3A_145 = vector.shape_cast %get3A_144 : vector<1x16xf32> to vector<16xf32>
        %max3A_146 = arith.constant 0.000000e+00 : f32
        %max3A_147 = vector.broadcast %max3A_146 : f32 to vector<16xf32>
        %max3A_148 = arith.maximumf %get3A_145, %max3A_147 : vector<16xf32>
        %swap3A_149 = arith.index_cast %scan3A_60 : i32 to index
        %swap3A_150 = arith.constant 112 : index
        %swap3A_151 = tpu.vector_load %arg9[%swap3A_149, %swap3A_150] {strides = array<i32>} : memref<80x128xf32, #tpu.memory_space<vmem>>, vector<1x16xf32>,
        %swap3A_152 = vector.shape_cast %swap3A_151 : vector<1x16xf32> to vector<16xf32>
        %swap3A_153 = vector.shape_cast %max3A_148 : vector<16xf32> to vector<1x16xf32>
        tpu.vector_store %arg9[%swap3A_149, %swap3A_150], %swap3A_153 {strides = array<i32>} : memref<80x128xf32, #tpu.memory_space<vmem>>, vector<1x16xf32>,
      }
      %scan3A_58 = arith.constant 80 : i32
      %add3A_59 = arith.addi %mul3A_4, %add3A_52 : i32
      "tpu.region"() ({
        %run_scoped3A = tpu.sem_alloc : memref<!tpu.dma_semaphore, #tpu.memory_space<semaphore_mem>>
        %dma_start3A = arith.constant 0 : i32
        %dma_start3A_60 = tpu.memref_slice %arg5[%add3A_59, %dma_start3A] : memref<20224x128xf32, #tpu.memory_space<hbm>> -> memref<80x128xf32, #tpu.memory_space<hbm>>
        %dma_start3A_61 = arith.constant 0 : i32
        %dma_start3A_62 = tpu.memref_slice %arg5[%add3A_59, %dma_start3A_61] : memref<20224x128xf32, #tpu.memory_space<hbm>> -> memref<80x128xf32, #tpu.memory_space<hbm>>
        tpu.enqueue_dma source(%arg9 : memref<80x128xf32, #tpu.memory_space<vmem>>) target(%dma_start3A_62 : memref<80x128xf32, #tpu.memory_space<hbm>>) target_semaphore(%run_scoped3A : memref<!tpu.dma_semaphore, #tpu.memory_space<semaphore_mem>>)
        %dma_wait3A = arith.constant 0 : i32
        %dma_wait3A_63 = tpu.memref_slice %arg5[%add3A_59, %dma_wait3A] : memref<20224x128xf32, #tpu.memory_space<hbm>> -> memref<80x128xf32, #tpu.memory_space<hbm>>
        %dma_wait3A_64 = arith.constant 0 : i32
        %dma_wait3A_65 = tpu.memref_slice %arg5[%add3A_59, %dma_wait3A_64] : memref<20224x128xf32, #tpu.memory_space<hbm>> -> memref<80x128xf32, #tpu.memory_space<hbm>>
        tpu.wait_dma2 semaphore(%run_scoped3A : memref<!tpu.dma_semaphore, #tpu.memory_space<semaphore_mem>>) src(%arg9 : memref<80x128xf32, #tpu.memory_space<vmem>>) dst(%dma_wait3A_65 : memref<80x128xf32, #tpu.memory_space<hbm>>)
        tpu.yield
      }) : () -> ()
    }
    %scan3A_28 = arith.constant 7 : i32
    %scan3A_29 = arith.constant 0 : i32
    %scan3A_30 = arith.constant 0 : i32
    %scan3A_31 = arith.constant 80 : i32
    %scan3A_32 = arith.addi %scan3A_30, %scan3A_31 : i32
    %scan3A_33 = arith.constant 1 : i32
    scf.for %scan3A_49 = %scan3A_30 to %scan3A_32 step %scan3A_33  : i32 {
      %broadcast_in_dim3A = arith.constant 0.000000e+00 : f32
      %broadcast_in_dim3A_50 = vector.broadcast %broadcast_in_dim3A : f32 to vector<16xf32>
      %swap3A = arith.index_cast %scan3A_49 : i32 to index
      %swap3A_51 = arith.constant 0 : index
      %swap3A_52 = tpu.vector_load %arg9[%swap3A, %swap3A_51] {strides = array<i32>} : memref<80x128xf32, #tpu.memory_space<vmem>>, vector<1x16xf32>,
      %swap3A_53 = vector.shape_cast %swap3A_52 : vector<1x16xf32> to vector<16xf32>
      %swap3A_54 = vector.shape_cast %broadcast_in_dim3A_50 : vector<16xf32> to vector<1x16xf32>
      tpu.vector_store %arg9[%swap3A, %swap3A_51], %swap3A_54 {strides = array<i32>} : memref<80x128xf32, #tpu.memory_space<vmem>>, vector<1x16xf32>,
      %broadcast_in_dim3A_55 = arith.constant 0.000000e+00 : f32
      %broadcast_in_dim3A_56 = vector.broadcast %broadcast_in_dim3A_55 : f32 to vector<16xf32>
      %swap3A_57 = arith.index_cast %scan3A_49 : i32 to index
      %swap3A_58 = arith.constant 16 : index
      %swap3A_59 = tpu.vector_load %arg9[%swap3A_57, %swap3A_58] {strides = array<i32>} : memref<80x128xf32, #tpu.memory_space<vmem>>, vector<1x16xf32>,
      %swap3A_60 = vector.shape_cast %swap3A_59 : vector<1x16xf32> to vector<16xf32>
      %swap3A_61 = vector.shape_cast %broadcast_in_dim3A_56 : vector<16xf32> to vector<1x16xf32>
      tpu.vector_store %arg9[%swap3A_57, %swap3A_58], %swap3A_61 {strides = array<i32>} : memref<80x128xf32, #tpu.memory_space<vmem>>, vector<1x16xf32>,
      %broadcast_in_dim3A_62 = arith.constant 0.000000e+00 : f32
      %broadcast_in_dim3A_63 = vector.broadcast %broadcast_in_dim3A_62 : f32 to vector<16xf32>
      %swap3A_64 = arith.index_cast %scan3A_49 : i32 to index
      %swap3A_65 = arith.constant 32 : index
      %swap3A_66 = tpu.vector_load %arg9[%swap3A_64, %swap3A_65] {strides = array<i32>} : memref<80x128xf32, #tpu.memory_space<vmem>>, vector<1x16xf32>,
      %swap3A_67 = vector.shape_cast %swap3A_66 : vector<1x16xf32> to vector<16xf32>
      %swap3A_68 = vector.shape_cast %broadcast_in_dim3A_63 : vector<16xf32> to vector<1x16xf32>
      tpu.vector_store %arg9[%swap3A_64, %swap3A_65], %swap3A_68 {strides = array<i32>} : memref<80x128xf32, #tpu.memory_space<vmem>>, vector<1x16xf32>,
      %broadcast_in_dim3A_69 = arith.constant 0.000000e+00 : f32
      %broadcast_in_dim3A_70 = vector.broadcast %broadcast_in_dim3A_69 : f32 to vector<16xf32>
      %swap3A_71 = arith.index_cast %scan3A_49 : i32 to index
      %swap3A_72 = arith.constant 48 : index
      %swap3A_73 = tpu.vector_load %arg9[%swap3A_71, %swap3A_72] {strides = array<i32>} : memref<80x128xf32, #tpu.memory_space<vmem>>, vector<1x16xf32>,
      %swap3A_74 = vector.shape_cast %swap3A_73 : vector<1x16xf32> to vector<16xf32>
      %swap3A_75 = vector.shape_cast %broadcast_in_dim3A_70 : vector<16xf32> to vector<1x16xf32>
      tpu.vector_store %arg9[%swap3A_71, %swap3A_72], %swap3A_75 {strides = array<i32>} : memref<80x128xf32, #tpu.memory_space<vmem>>, vector<1x16xf32>,
      %broadcast_in_dim3A_76 = arith.constant 0.000000e+00 : f32
      %broadcast_in_dim3A_77 = vector.broadcast %broadcast_in_dim3A_76 : f32 to vector<16xf32>
      %swap3A_78 = arith.index_cast %scan3A_49 : i32 to index
      %swap3A_79 = arith.constant 64 : index
      %swap3A_80 = tpu.vector_load %arg9[%swap3A_78, %swap3A_79] {strides = array<i32>} : memref<80x128xf32, #tpu.memory_space<vmem>>, vector<1x16xf32>,
      %swap3A_81 = vector.shape_cast %swap3A_80 : vector<1x16xf32> to vector<16xf32>
      %swap3A_82 = vector.shape_cast %broadcast_in_dim3A_77 : vector<16xf32> to vector<1x16xf32>
      tpu.vector_store %arg9[%swap3A_78, %swap3A_79], %swap3A_82 {strides = array<i32>} : memref<80x128xf32, #tpu.memory_space<vmem>>, vector<1x16xf32>,
      %broadcast_in_dim3A_83 = arith.constant 0.000000e+00 : f32
      %broadcast_in_dim3A_84 = vector.broadcast %broadcast_in_dim3A_83 : f32 to vector<16xf32>
      %swap3A_85 = arith.index_cast %scan3A_49 : i32 to index
      %swap3A_86 = arith.constant 80 : index
      %swap3A_87 = tpu.vector_load %arg9[%swap3A_85, %swap3A_86] {strides = array<i32>} : memref<80x128xf32, #tpu.memory_space<vmem>>, vector<1x16xf32>,
      %swap3A_88 = vector.shape_cast %swap3A_87 : vector<1x16xf32> to vector<16xf32>
      %swap3A_89 = vector.shape_cast %broadcast_in_dim3A_84 : vector<16xf32> to vector<1x16xf32>
      tpu.vector_store %arg9[%swap3A_85, %swap3A_86], %swap3A_89 {strides = array<i32>} : memref<80x128xf32, #tpu.memory_space<vmem>>, vector<1x16xf32>,
      %broadcast_in_dim3A_90 = arith.constant 0.000000e+00 : f32
      %broadcast_in_dim3A_91 = vector.broadcast %broadcast_in_dim3A_90 : f32 to vector<16xf32>
      %swap3A_92 = arith.index_cast %scan3A_49 : i32 to index
      %swap3A_93 = arith.constant 96 : index
      %swap3A_94 = tpu.vector_load %arg9[%swap3A_92, %swap3A_93] {strides = array<i32>} : memref<80x128xf32, #tpu.memory_space<vmem>>, vector<1x16xf32>,
      %swap3A_95 = vector.shape_cast %swap3A_94 : vector<1x16xf32> to vector<16xf32>
      %swap3A_96 = vector.shape_cast %broadcast_in_dim3A_91 : vector<16xf32> to vector<1x16xf32>
      tpu.vector_store %arg9[%swap3A_92, %swap3A_93], %swap3A_96 {strides = array<i32>} : memref<80x128xf32, #tpu.memory_space<vmem>>, vector<1x16xf32>,
      %broadcast_in_dim3A_97 = arith.constant 0.000000e+00 : f32
      %broadcast_in_dim3A_98 = vector.broadcast %broadcast_in_dim3A_97 : f32 to vector<16xf32>
      %swap3A_99 = arith.index_cast %scan3A_49 : i32 to index
      %swap3A_100 = arith.constant 112 : index
      %swap3A_101 = tpu.vector_load %arg9[%swap3A_99, %swap3A_100] {strides = array<i32>} : memref<80x128xf32, #tpu.memory_space<vmem>>, vector<1x16xf32>,
      %swap3A_102 = vector.shape_cast %swap3A_101 : vector<1x16xf32> to vector<16xf32>
      %swap3A_103 = vector.shape_cast %broadcast_in_dim3A_98 : vector<16xf32> to vector<1x16xf32>
      tpu.vector_store %arg9[%swap3A_99, %swap3A_100], %swap3A_103 {strides = array<i32>} : memref<80x128xf32, #tpu.memory_space<vmem>>, vector<1x16xf32>,
    }
    %scan3A_34 = arith.constant 80 : i32
    %scan3A_35 = arith.constant 0 : i32
    %scan3A_36 = arith.constant 0 : i32
    %scan3A_37 = arith.constant 7 : i32
    %scan3A_38 = arith.addi %scan3A_36, %scan3A_37 : i32
    %scan3A_39 = arith.constant 1 : i32
    scf.for %scan3A_49 = %scan3A_36 to %scan3A_38 step %scan3A_39  : i32 {
      %mul3A_50 = arith.constant 80 : i32
      %mul3A_51 = arith.muli %scan3A_49, %mul3A_50 : i32
      %add3A_52 = arith.addi %mul3A_0, %mul3A_51 : i32
      "tpu.region"() ({
        %run_scoped3A = tpu.sem_alloc : memref<!tpu.dma_semaphore, #tpu.memory_space<semaphore_mem>>
        %dma_start3A = arith.constant 0 : i32
        %dma_start3A_53 = tpu.memref_slice %arg10[%add3A_52, %dma_start3A] : memref<10112x128xf32, #tpu.memory_space<vmem_shared>> -> memref<80x128xf32, #tpu.memory_space<vmem_shared>>
        %dma_start3A_54 = arith.constant 0 : i32
        %dma_start3A_55 = tpu.memref_slice %arg10[%add3A_52, %dma_start3A_54] : memref<10112x128xf32, #tpu.memory_space<vmem_shared>> -> memref<80x128xf32, #tpu.memory_space<vmem_shared>>
        tpu.enqueue_dma source(%arg9 : memref<80x128xf32, #tpu.memory_space<vmem>>) target(%dma_start3A_55 : memref<80x128xf32, #tpu.memory_space<vmem_shared>>) target_semaphore(%run_scoped3A : memref<!tpu.dma_semaphore, #tpu.memory_space<semaphore_mem>>)
        %dma_wait3A = arith.constant 0 : i32
        %dma_wait3A_56 = tpu.memref_slice %arg10[%add3A_52, %dma_wait3A] : memref<10112x128xf32, #tpu.memory_space<vmem_shared>> -> memref<80x128xf32, #tpu.memory_space<vmem_shared>>
        %dma_wait3A_57 = arith.constant 0 : i32
        %dma_wait3A_58 = tpu.memref_slice %arg10[%add3A_52, %dma_wait3A_57] : memref<10112x128xf32, #tpu.memory_space<vmem_shared>> -> memref<80x128xf32, #tpu.memory_space<vmem_shared>>
        tpu.wait_dma2 semaphore(%run_scoped3A : memref<!tpu.dma_semaphore, #tpu.memory_space<semaphore_mem>>) src(%arg9 : memref<80x128xf32, #tpu.memory_space<vmem>>) dst(%dma_wait3A_58 : memref<80x128xf32, #tpu.memory_space<vmem_shared>>)
        tpu.yield
      }) : () -> ()
    }
    %scan3A_40 = arith.constant 7 : i32
    %barrier3A_41 = arith.constant 0 : index
    tpu.barrier barrier_id(%barrier3A_41)
    %scan3A_42 = arith.constant 0 : i32
    %scan3A_43 = arith.constant 0 : i32
    %scan3A_44 = arith.constant 125 : i32
    %scan3A_45 = arith.addi %scan3A_43, %scan3A_44 : i32
    %scan3A_46 = arith.constant 1 : i32
    scf.for %scan3A_49 = %scan3A_43 to %scan3A_45 step %scan3A_46  : i32 {
      %mul3A_50 = arith.constant 80 : i32
      %mul3A_51 = arith.muli %scan3A_49, %mul3A_50 : i32
      %add3A_52 = arith.addi %mul3A_2, %mul3A_51 : i32
      "tpu.region"() ({
        %run_scoped3A = tpu.sem_alloc : memref<!tpu.dma_semaphore, #tpu.memory_space<semaphore_mem>>
        %dma_start3A_102 = tpu.memref_slice %arg4[%add3A_52] : memref<320000xi32, #tpu.memory_space<hbm>> -> memref<80xi32, #tpu.memory_space<hbm>>
        %dma_start3A_103 = tpu.memref_slice %arg4[%add3A_52] : memref<320000xi32, #tpu.memory_space<hbm>> -> memref<80xi32, #tpu.memory_space<hbm>>
        tpu.enqueue_dma source(%dma_start3A_103 : memref<80xi32, #tpu.memory_space<hbm>>) target(%arg7 : memref<80xi32, #tpu.memory_space<vmem>>) target_semaphore(%run_scoped3A : memref<!tpu.dma_semaphore, #tpu.memory_space<semaphore_mem>>)
        %dma_wait3A_104 = tpu.memref_slice %arg4[%add3A_52] : memref<320000xi32, #tpu.memory_space<hbm>> -> memref<80xi32, #tpu.memory_space<hbm>>
        %dma_wait3A_105 = tpu.memref_slice %arg4[%add3A_52] : memref<320000xi32, #tpu.memory_space<hbm>> -> memref<80xi32, #tpu.memory_space<hbm>>
        tpu.wait_dma2 semaphore(%run_scoped3A : memref<!tpu.dma_semaphore, #tpu.memory_space<semaphore_mem>>) src(%dma_wait3A_105 : memref<80xi32, #tpu.memory_space<hbm>>) dst(%arg7 : memref<80xi32, #tpu.memory_space<vmem>>)
        tpu.yield
      }) : () -> ()
      %add3A_53 = arith.constant 160000 : i32
      %add3A_54 = arith.addi %add3A_53, %add3A_52 : i32
      "tpu.region"() ({
        %run_scoped3A = tpu.sem_alloc : memref<!tpu.dma_semaphore, #tpu.memory_space<semaphore_mem>>
        %dma_start3A_102 = tpu.memref_slice %arg4[%add3A_54] : memref<320000xi32, #tpu.memory_space<hbm>> -> memref<80xi32, #tpu.memory_space<hbm>>
        %dma_start3A_103 = tpu.memref_slice %arg4[%add3A_54] : memref<320000xi32, #tpu.memory_space<hbm>> -> memref<80xi32, #tpu.memory_space<hbm>>
        tpu.enqueue_dma source(%dma_start3A_103 : memref<80xi32, #tpu.memory_space<hbm>>) target(%arg8 : memref<80xi32, #tpu.memory_space<vmem>>) target_semaphore(%run_scoped3A : memref<!tpu.dma_semaphore, #tpu.memory_space<semaphore_mem>>)
        %dma_wait3A_104 = tpu.memref_slice %arg4[%add3A_54] : memref<320000xi32, #tpu.memory_space<hbm>> -> memref<80xi32, #tpu.memory_space<hbm>>
        %dma_wait3A_105 = tpu.memref_slice %arg4[%add3A_54] : memref<320000xi32, #tpu.memory_space<hbm>> -> memref<80xi32, #tpu.memory_space<hbm>>
        tpu.wait_dma2 semaphore(%run_scoped3A : memref<!tpu.dma_semaphore, #tpu.memory_space<semaphore_mem>>) src(%dma_wait3A_105 : memref<80xi32, #tpu.memory_space<hbm>>) dst(%arg8 : memref<80xi32, #tpu.memory_space<vmem>>)
        tpu.yield
      }) : () -> ()
      %get3A = arith.constant 0 : index
      %get3A_55 = tpu.vector_load %arg7[%get3A] {strides = array<i32>} : memref<80xi32, #tpu.memory_space<vmem>>, vector<16xi32>,
      %get3A_56 = vector.shape_cast %get3A_55 : vector<16xi32> to vector<16xi32>
      %add3A_57 = vector.broadcast %mul3A_4 : i32 to vector<16xi32>
      %add3A_58 = arith.addi %get3A_56, %add3A_57 : vector<16xi32>
      %swap3A = arith.constant 0 : index
      %swap3A_59 = tpu.vector_load %arg7[%swap3A] {strides = array<i32>} : memref<80xi32, #tpu.memory_space<vmem>>, vector<16xi32>,
      %swap3A_60 = vector.shape_cast %swap3A_59 : vector<16xi32> to vector<16xi32>
      %swap3A_61 = vector.shape_cast %add3A_58 : vector<16xi32> to vector<16xi32>
      tpu.vector_store %arg7[%swap3A], %swap3A_61 {strides = array<i32>} : memref<80xi32, #tpu.memory_space<vmem>>, vector<16xi32>,
      %get3A_62 = arith.constant 16 : index
      %get3A_63 = tpu.vector_load %arg7[%get3A_62] {strides = array<i32>} : memref<80xi32, #tpu.memory_space<vmem>>, vector<16xi32>,
      %get3A_64 = vector.shape_cast %get3A_63 : vector<16xi32> to vector<16xi32>
      %add3A_65 = vector.broadcast %mul3A_4 : i32 to vector<16xi32>
      %add3A_66 = arith.addi %get3A_64, %add3A_65 : vector<16xi32>
      %swap3A_67 = arith.constant 16 : index
      %swap3A_68 = tpu.vector_load %arg7[%swap3A_67] {strides = array<i32>} : memref<80xi32, #tpu.memory_space<vmem>>, vector<16xi32>,
      %swap3A_69 = vector.shape_cast %swap3A_68 : vector<16xi32> to vector<16xi32>
      %swap3A_70 = vector.shape_cast %add3A_66 : vector<16xi32> to vector<16xi32>
      tpu.vector_store %arg7[%swap3A_67], %swap3A_70 {strides = array<i32>} : memref<80xi32, #tpu.memory_space<vmem>>, vector<16xi32>,
      %get3A_71 = arith.constant 32 : index
      %get3A_72 = tpu.vector_load %arg7[%get3A_71] {strides = array<i32>} : memref<80xi32, #tpu.memory_space<vmem>>, vector<16xi32>,
      %get3A_73 = vector.shape_cast %get3A_72 : vector<16xi32> to vector<16xi32>
      %add3A_74 = vector.broadcast %mul3A_4 : i32 to vector<16xi32>
      %add3A_75 = arith.addi %get3A_73, %add3A_74 : vector<16xi32>
      %swap3A_76 = arith.constant 32 : index
      %swap3A_77 = tpu.vector_load %arg7[%swap3A_76] {strides = array<i32>} : memref<80xi32, #tpu.memory_space<vmem>>, vector<16xi32>,
      %swap3A_78 = vector.shape_cast %swap3A_77 : vector<16xi32> to vector<16xi32>
      %swap3A_79 = vector.shape_cast %add3A_75 : vector<16xi32> to vector<16xi32>
      tpu.vector_store %arg7[%swap3A_76], %swap3A_79 {strides = array<i32>} : memref<80xi32, #tpu.memory_space<vmem>>, vector<16xi32>,
      %get3A_80 = arith.constant 48 : index
      %get3A_81 = tpu.vector_load %arg7[%get3A_80] {strides = array<i32>} : memref<80xi32, #tpu.memory_space<vmem>>, vector<16xi32>,
      %get3A_82 = vector.shape_cast %get3A_81 : vector<16xi32> to vector<16xi32>
      %add3A_83 = vector.broadcast %mul3A_4 : i32 to vector<16xi32>
      %add3A_84 = arith.addi %get3A_82, %add3A_83 : vector<16xi32>
      %swap3A_85 = arith.constant 48 : index
      %swap3A_86 = tpu.vector_load %arg7[%swap3A_85] {strides = array<i32>} : memref<80xi32, #tpu.memory_space<vmem>>, vector<16xi32>,
      %swap3A_87 = vector.shape_cast %swap3A_86 : vector<16xi32> to vector<16xi32>
      %swap3A_88 = vector.shape_cast %add3A_84 : vector<16xi32> to vector<16xi32>
      tpu.vector_store %arg7[%swap3A_85], %swap3A_88 {strides = array<i32>} : memref<80xi32, #tpu.memory_space<vmem>>, vector<16xi32>,
      %get3A_89 = arith.constant 64 : index
      %get3A_90 = tpu.vector_load %arg7[%get3A_89] {strides = array<i32>} : memref<80xi32, #tpu.memory_space<vmem>>, vector<16xi32>,
      %get3A_91 = vector.shape_cast %get3A_90 : vector<16xi32> to vector<16xi32>
      %add3A_92 = vector.broadcast %mul3A_4 : i32 to vector<16xi32>
      %add3A_93 = arith.addi %get3A_91, %add3A_92 : vector<16xi32>
      %swap3A_94 = arith.constant 64 : index
      %swap3A_95 = tpu.vector_load %arg7[%swap3A_94] {strides = array<i32>} : memref<80xi32, #tpu.memory_space<vmem>>, vector<16xi32>,
      %swap3A_96 = vector.shape_cast %swap3A_95 : vector<16xi32> to vector<16xi32>
      %swap3A_97 = vector.shape_cast %add3A_93 : vector<16xi32> to vector<16xi32>
      tpu.vector_store %arg7[%swap3A_94], %swap3A_97 {strides = array<i32>} : memref<80xi32, #tpu.memory_space<vmem>>, vector<16xi32>,
      %dma_start3A = arith.constant 0 : i32
      %dma_start3A_98 = arith.constant 0 : i32
      %dma_start3A_99 = tpu.memref_slice %arg5[%dma_start3A, %dma_start3A_98] : memref<20224x128xf32, #tpu.memory_space<hbm>> -> memref<20224x128xf32, #tpu.memory_space<hbm>>
      tpu.enqueue_indirect_dma source(%dma_start3A_99 : memref<20224x128xf32, #tpu.memory_space<hbm>>) target(%arg9 : memref<80x128xf32, #tpu.memory_space<vmem>>) offsets(%arg7 : memref<80xi32, #tpu.memory_space<vmem>>) semaphore(%arg11 : memref<!tpu.dma_semaphore, #tpu.memory_space<semaphore_mem>>)
      %dma_wait3A = arith.constant 0 : i32
      %dma_wait3A_100 = arith.constant 0 : i32
      %dma_wait3A_101 = tpu.memref_slice %arg5[%dma_wait3A, %dma_wait3A_100] : memref<20224x128xf32, #tpu.memory_space<hbm>> -> memref<20224x128xf32, #tpu.memory_space<hbm>>
      tpu.wait_indirect_dma semaphore(%arg11 : memref<!tpu.dma_semaphore, #tpu.memory_space<semaphore_mem>>) src(%dma_wait3A_101 : memref<20224x128xf32, #tpu.memory_space<hbm>>) dst(%arg9 : memref<80x128xf32, #tpu.memory_space<vmem>>)
      "tpu.region"() ({
        %run_scoped3A = tpu.sem_alloc : memref<!tpu.dma_semaphore, #tpu.memory_space<semaphore_mem>>
        %dma_start3A_102 = arith.constant 0 : i32
        %dma_start3A_103 = arith.constant 0 : i32
        %dma_start3A_104 = tpu.memref_slice %arg10[%dma_start3A_102, %dma_start3A_103] : memref<10112x128xf32, #tpu.memory_space<vmem_shared>> -> memref<10112x128xf32, #tpu.memory_space<vmem_shared>>
        tpu.enqueue_indirect_dma source(%arg9 : memref<80x128xf32, #tpu.memory_space<vmem>>) target(%dma_start3A_104 : memref<10112x128xf32, #tpu.memory_space<vmem_shared>>) offsets(%arg8 : memref<80xi32, #tpu.memory_space<vmem>>) semaphore(%run_scoped3A : memref<!tpu.dma_semaphore, #tpu.memory_space<semaphore_mem>>) {add = true}
        %dma_wait3A_105 = arith.constant 0 : i32
        %dma_wait3A_106 = arith.constant 0 : i32
        %dma_wait3A_107 = tpu.memref_slice %arg10[%dma_wait3A_105, %dma_wait3A_106] : memref<10112x128xf32, #tpu.memory_space<vmem_shared>> -> memref<10112x128xf32, #tpu.memory_space<vmem_shared>>
        tpu.wait_indirect_dma semaphore(%run_scoped3A : memref<!tpu.dma_semaphore, #tpu.memory_space<semaphore_mem>>) src(%arg9 : memref<80x128xf32, #tpu.memory_space<vmem>>) dst(%dma_wait3A_107 : memref<10112x128xf32, #tpu.memory_space<vmem_shared>>)
        tpu.yield
      }) : () -> ()
    }
    %scan3A_47 = arith.constant 125 : i32
    %barrier3A_48 = arith.constant 0 : index
    tpu.barrier barrier_id(%barrier3A_48)
    %add3A = arith.addi %mul3A_4, %mul3A_0 : i32
    "tpu.region"() ({
      %run_scoped3A = tpu.sem_alloc : memref<!tpu.dma_semaphore, #tpu.memory_space<semaphore_mem>>
      %dma_start3A = arith.constant 0 : i32
      %dma_start3A_49 = tpu.memref_slice %arg6[%add3A, %dma_start3A] : memref<20224x128xf32, #tpu.memory_space<hbm>> -> memref<632x128xf32, #tpu.memory_space<hbm>>
      %dma_start3A_50 = arith.constant 0 : i32
      %dma_start3A_51 = tpu.memref_slice %arg10[%mul3A_0, %dma_start3A_50] : memref<10112x128xf32, #tpu.memory_space<vmem_shared>> -> memref<632x128xf32, #tpu.memory_space<vmem_shared>>
      tpu.enqueue_dma source(%dma_start3A_51 : memref<632x128xf32, #tpu.memory_space<vmem_shared>>) target(%dma_start3A_49 : memref<632x128xf32, #tpu.memory_space<hbm>>) target_semaphore(%run_scoped3A : memref<!tpu.dma_semaphore, #tpu.memory_space<semaphore_mem>>)
      %dma_wait3A = arith.constant 0 : i32
      %dma_wait3A_52 = tpu.memref_slice %arg6[%add3A, %dma_wait3A] : memref<20224x128xf32, #tpu.memory_space<hbm>> -> memref<632x128xf32, #tpu.memory_space<hbm>>
      %dma_wait3A_53 = arith.constant 0 : i32
      %dma_wait3A_54 = tpu.memref_slice %arg10[%mul3A_0, %dma_wait3A_53] : memref<10112x128xf32, #tpu.memory_space<vmem_shared>> -> memref<632x128xf32, #tpu.memory_space<vmem_shared>>
      tpu.wait_dma2 semaphore(%run_scoped3A : memref<!tpu.dma_semaphore, #tpu.memory_space<semaphore_mem>>) src(%dma_wait3A_54 : memref<632x128xf32, #tpu.memory_space<vmem_shared>>) dst(%dma_wait3A_52 : memref<632x128xf32, #tpu.memory_space<hbm>>)
      tpu.yield
    }) : () -> ()
    return
  }
}

module attributes {stable_mosaic.version = 14 : i64} {
  func.func @_mm1_body(%arg0: i32, %arg1: i32, %arg2: memref<80x256xf32, #tpu.memory_space<vmem>>, %arg3: memref<256x128xf32, #tpu.memory_space<vmem>>, %arg4: memref<80x128xf32, #tpu.memory_space<vmem>>) attributes {dimension_semantics = [#tpu.dimension_semantics<arbitrary>, #tpu.dimension_semantics<arbitrary>], iteration_bounds = array<i64: 2, 125>, scalar_prefetch = 0 : i64, scratch_operands = 0 : i64, tpu.core_type = #tpu.core_type<tc>, window_params = [{transform_indices = @transform_0, window_bounds = array<i64: 80, 256>}, {transform_indices = @transform_1, window_bounds = array<i64: 256, 128>}, {transform_indices = @transform_2, window_bounds = array<i64: 80, 128>}]} {
    %get3A = arith.constant 0 : index
    %get3A_0 = arith.constant 0 : index
    %get3A_1 = vector.load %arg2[%get3A, %get3A_0] : memref<80x256xf32, #tpu.memory_space<vmem>>, vector<80x256xf32>
    %get3A_2 = arith.constant 0 : index
    %get3A_3 = arith.constant 0 : index
    %get3A_4 = vector.load %arg3[%get3A_2, %get3A_3] : memref<256x128xf32, #tpu.memory_space<vmem>>, vector<256x128xf32>
    %dot_general3A = arith.constant dense<0.000000e+00> : vector<80x128xf32>
    %dot_general3A_5 = tpu.matmul %get3A_1, %get3A_4, %dot_general3A {dimension_numbers = #tpu.dot_dimension_numbers<[1], [0], [0], [1], [0, 0, 1, 1], [], []>, transpose_lhs_hint = false} : vector<80x256xf32>, vector<256x128xf32>, vector<80x128xf32> -> vector<80x128xf32>
    %swap3A = arith.constant 0 : index
    %swap3A_6 = arith.constant 0 : index
    %swap3A_7 = vector.load %arg4[%swap3A, %swap3A_6] : memref<80x128xf32, #tpu.memory_space<vmem>>, vector<80x128xf32>
    tpu.vector_store %arg4[%swap3A, %swap3A_6], %dot_general3A_5 {strides = array<i32>} : memref<80x128xf32, #tpu.memory_space<vmem>>, vector<80x128xf32>,
    return
  }
  func.func @transform_0(%arg0: i32, %arg1: i32) -> (i32, i32) {
    %c0_i32 = arith.constant 0 : i32
    %c0_i32_0 = arith.constant 0 : i32
    return %arg1, %c0_i32 : i32, i32
  }
  func.func @transform_1(%arg0: i32, %arg1: i32) -> (i32, i32) {
    %c0_i32 = arith.constant 0 : i32
    %c0_i32_0 = arith.constant 0 : i32
    return %c0_i32, %arg0 : i32, i32
  }
  func.func @transform_2(%arg0: i32, %arg1: i32) -> (i32, i32) {
    %mul3A = arith.constant 126 : i32
    %mul3A_0 = arith.muli %arg0, %mul3A : i32
    %add3A = arith.addi %mul3A_0, %arg1 : i32
    %c0_i32 = arith.constant 0 : i32
    %c0_i32_1 = arith.constant 0 : i32
    return %add3A, %c0_i32 : i32, i32
  }
}

module attributes {stable_mosaic.version = 14 : i64} {
  func.func @_mm2_body(%arg0: i32, %arg1: memref<80x128xf32, #tpu.memory_space<vmem>>, %arg2: memref<80x128xf32, #tpu.memory_space<vmem>>, %arg3: memref<128x64xf32, #tpu.memory_space<vmem>>, %arg4: memref<128x64xf32, #tpu.memory_space<vmem>>, %arg5: memref<80x64xf32, #tpu.memory_space<vmem>>) attributes {dimension_semantics = [#tpu.dimension_semantics<arbitrary>], iteration_bounds = array<i64: 125>, scalar_prefetch = 0 : i64, scratch_operands = 0 : i64, tpu.core_type = #tpu.core_type<tc>, window_params = [{transform_indices = @transform_0, window_bounds = array<i64: 80, 128>}, {transform_indices = @transform_1, window_bounds = array<i64: 80, 128>}, {transform_indices = @transform_2, window_bounds = array<i64: 128, 64>}, {transform_indices = @transform_3, window_bounds = array<i64: 128, 64>}, {transform_indices = @transform_4, window_bounds = array<i64: 80, 64>}]} {
    %get3A = arith.constant 0 : index
    %get3A_0 = arith.constant 0 : index
    %get3A_1 = vector.load %arg1[%get3A, %get3A_0] : memref<80x128xf32, #tpu.memory_space<vmem>>, vector<80x128xf32>
    %get3A_2 = arith.constant 0 : index
    %get3A_3 = arith.constant 0 : index
    %get3A_4 = vector.load %arg3[%get3A_2, %get3A_3] : memref<128x64xf32, #tpu.memory_space<vmem>>, vector<128x64xf32>
    %dot_general3A = arith.constant dense<0.000000e+00> : vector<80x64xf32>
    %dot_general3A_5 = tpu.matmul %get3A_1, %get3A_4, %dot_general3A {dimension_numbers = #tpu.dot_dimension_numbers<[1], [0], [0], [1], [0, 0, 1, 1], [], []>, transpose_lhs_hint = false} : vector<80x128xf32>, vector<128x64xf32>, vector<80x64xf32> -> vector<80x64xf32>
    %get3A_6 = arith.constant 0 : index
    %get3A_7 = arith.constant 0 : index
    %get3A_8 = vector.load %arg2[%get3A_6, %get3A_7] : memref<80x128xf32, #tpu.memory_space<vmem>>, vector<80x128xf32>
    %get3A_9 = arith.constant 0 : index
    %get3A_10 = arith.constant 0 : index
    %get3A_11 = vector.load %arg4[%get3A_9, %get3A_10] : memref<128x64xf32, #tpu.memory_space<vmem>>, vector<128x64xf32>
    %dot_general3A_12 = arith.constant dense<0.000000e+00> : vector<80x64xf32>
    %dot_general3A_13 = tpu.matmul %get3A_8, %get3A_11, %dot_general3A_12 {dimension_numbers = #tpu.dot_dimension_numbers<[1], [0], [0], [1], [0, 0, 1, 1], [], []>, transpose_lhs_hint = false} : vector<80x128xf32>, vector<128x64xf32>, vector<80x64xf32> -> vector<80x64xf32>
    %add3A = arith.addf %dot_general3A_5, %dot_general3A_13 : vector<80x64xf32>
    %swap3A = arith.constant 0 : index
    %swap3A_14 = arith.constant 0 : index
    %swap3A_15 = vector.load %arg5[%swap3A, %swap3A_14] : memref<80x64xf32, #tpu.memory_space<vmem>>, vector<80x64xf32>
    tpu.vector_store %arg5[%swap3A, %swap3A_14], %add3A {strides = array<i32>} : memref<80x64xf32, #tpu.memory_space<vmem>>, vector<80x64xf32>,
    return
  }
  func.func @transform_0(%arg0: i32) -> (i32, i32) {
    %c0_i32 = arith.constant 0 : i32
    %c0_i32_0 = arith.constant 0 : i32
    return %arg0, %c0_i32 : i32, i32
  }
  func.func @transform_1(%arg0: i32) -> (i32, i32) {
    %add3A = arith.constant 126 : i32
    %add3A_0 = arith.addi %add3A, %arg0 : i32
    %c0_i32 = arith.constant 0 : i32
    %c0_i32_1 = arith.constant 0 : i32
    return %add3A_0, %c0_i32 : i32, i32
  }
  func.func @transform_2(%arg0: i32) -> (i32, i32) {
    %c0_i32 = arith.constant 0 : i32
    %c0_i32_0 = arith.constant 0 : i32
    %c0_i32_1 = arith.constant 0 : i32
    return %c0_i32, %c0_i32_0 : i32, i32
  }
  func.func @transform_3(%arg0: i32) -> (i32, i32) {
    %c1_i32 = arith.constant 1 : i32
    %c0_i32 = arith.constant 0 : i32
    %c0_i32_0 = arith.constant 0 : i32
    return %c1_i32, %c0_i32 : i32, i32
  }
  func.func @transform_4(%arg0: i32) -> (i32, i32) {
    %c0_i32 = arith.constant 0 : i32
    %c0_i32_0 = arith.constant 0 : i32
    return %arg0, %c0_i32 : i32, i32
  }
}

</mosaic_0001>

<sc_bundles>
// kernel: kernel.5.cloned.1.call-start
scs
__scs_entry_jumppad:
0x0: {  	(pc) =	sbr.rel $0x88, $3  }
0x1: {  	(tag) =	ssettag $0x0;
	lr =	simm.s32 $0x1  }
0x2: {  	[smem:$0x3F9C] =	sst lr;
	_ =	strace $0xD0000000  }
0x3: {  	_ = 	snop  }
0x4: {  	_ = 	snop  }
0x5: {  	_ = 	snop  }
0x6: {  	_ = 	snop  }
0x7: {  	_ = 	snop  }
__scs_overlays_trampoline_lowered:
0x8: {  	[smem:$0x3FAB] =	sst s0  }
0x9: {  	[smem:$0x3FAC] =	sst s1  }
0xa: {  	[smem:$0x3FAD] =	sst s2  }
0xb: {  	[smem:$0x3FAE] =	sst s3  }
0xc: {  	[smem:$0x3FAF] =	sst s4  }
0xd: {  	[smem:$0x3FB0] =	sst s5  }
0xe: {  	[smem:$0x3FB1] =	sst s6  }
0xf: {  	[smem:$0x3FB2] =	sst s7  }
0x10: {  	[smem:$0x3FB3] =	sst s8  }
0x11: {  	[smem:$0x3FB4] =	sst s9;
	s0 =	simm.s32 @!p0 $0x0  }
0x12: {  	s1 =	sld [smem:$0x3F9A];
	s0 =	simm.s32 @p0 $0x1  }
0x13: {  	[smem:$0x3FB5] =	sst s0;
	s0 =	simm.s32 @!p1 $0x0  }
0x14: {  	s2 =	sld [smem:$0x3F99];
	s0 =	simm.s32 @p1 $0x1  }
0x15: {  	[smem:$0x3FB6] =	sst s0;
	s0 =	simm.s32 @!p2 $0x0  }
0x16: {  	s3 =	sld [smem:$0x3FDB];
	s0 =	simm.s32 @p2 $0x1  }
0x17: {  	s4 =	simm.s32 $0x1BF5;
	[smem:$0x3FB8] =	sst s0  }
0x18: {  	s0 =	sld [smem:$0x3F9B];
	_ =	swait.ge [sflag:s4], $0x0  }
0x19: {  	s7 =	sld [smem:$0x3F9C]  }
0x1a: {  	s8 =	sadd.s32 $0xFFFFE003, lr  }
0x1b: {  	s9 =	sadd.s32 $0xFFFFFEF7, lr;
	s5 =	simm.s32 $0xFFFFFFFF;
	p2 =	slt.u32 s8, $0xFFFFF086  }
0x1c: {  	p1 =	slt.u32 s9, $0xF7A;
	s5 =	simm.s32 @!p2 $0x0  }
0x1d: {  	s5 =	simm.s32 @p1 $0x1;
	p0 =	seq.s32 s7, s2  }
0x1e: {  	s7 =	smul.u32 @!p0 $0xF7A, s2;
	p2 =	seq.s32 @!p0 s5, $0x0  }
0x1f: {  	s9 =	smul.u32 $0xF7A, s1;
	s8 =	simm.s32 @!p0 $0x1BF5;
	p2 =	por !p2, p0  }
0x20: {  	[sflag:s8] =	ssyncset.s32 @!p0 $0xFFFFF086;
	s6 =	sadd.s32 @!p0 s3, s7;
	s7 =	simm.s32 @!p0 $0x108  }
0x21: {  	s3 =	sadd.s32 s3, s9;
	s6 =	sadd.s32 @!p0 $0x88, s6;
	s7 =	simm.s32 @p2 $0x1082  }
0x22: {  	[simem:s7], [sflag:s8] =	dma.local @!p0 [hbm:s6], $0xF7A  }
0x23: {  	s9 =	sor.u32 $0xD0000000, s2;
	s6 =	simm.s32 $0x108;
	_ =	swait.ge @!p0 [sflag:s8], $0x0  }
0x24: {  	s3 =	sadd.s32 $0x88, s3;
	s6 =	simm.s32 @!p1 $0x1082;
	[sflag:s4] =	ssyncset.s32 $0xFFFFF086  }
0x25: {  	[simem:s6], [sflag:s4] =	dma.local [hbm:s3], $0xF7A  }
0x26: {  	[smem:$0x3F9C] =	sst s1;
	(tag) =	ssettag s2;
	_ =	strace s9  }
0x27: {  	s1 =	sld [smem:$0x3FAC]  }
0x28: {  	s2 =	sld [smem:$0x3FAD]  }
0x29: {  	s4 =	sld [smem:$0x3FAF]  }
0x2a: {  	p0 =	seq.s32 s5, $0x0;
	s5 =	sld [smem:$0x3FB0]  }
0x2b: {  	s6 =	sld [smem:$0x3FB1]  }
0x2c: {  	s7 =	sld [smem:$0x3FB2]  }
0x2d: {  	s3 =	simm.s32 $0x108;
	s8 =	sld [smem:$0x3FB3]  }
0x2e: {  	s3 =	simm.s32 @!p0 $0x1082;
	s9 =	sld [smem:$0x3FB4]  }
0x2f: {  	lr =	sadd.s32 s0, s3;
	s0 =	sld [smem:$0x3FAB]  }
0x30: {  	s3 =	sld [smem:$0x3FAE]  }
0x31: {  	[smem:$0x3FB7] =	sst s10  }
0x32: {  	s10 =	sld [smem:$0x3FB5];
	_ =	sdelay $0x3  }
0x33: {  	p0 =	seq.s32 s10, $0x1;
	s10 =	sld [smem:$0x3FB7];
	_ =	sdelay $0x3  }
0x34: {  	[smem:$0x3FB7] =	sst s10  }
0x35: {  	s10 =	sld [smem:$0x3FB6];
	_ =	sdelay $0x3  }
0x36: {  	p1 =	seq.s32 s10, $0x1;
	s10 =	sld [smem:$0x3FB7];
	_ =	sdelay $0x3  }
0x37: {  	[smem:$0x3FB7] =	sst s10  }
0x38: {  	s10 =	sld [smem:$0x3FB8]  }
0x39: {  	_ = 	snop;
	(pc) =	sbr.ind lr, $3  }
0x3a: {  	_ = 	snop  }
0x3b: {  	_ = 	snop  }
0x3c: {  	p2 =	seq.s32 s10, $0x1;
	s10 =	sld [smem:$0x3FB7]  }
0x3d: {  	_ =	shalt  }
0x3e: {  	_ =	shalt  }
0x3f: {  	_ =	shalt  }
0x40: {  	_ =	shalt  }
0x41: {  	_ =	shalt  }
0x42: {  	_ =	shalt  }
0x43: {  	_ =	shalt  }
0x44: {  	_ =	shalt  }
0x45: {  	_ =	shalt  }
0x46: {  	_ =	shalt  }
0x47: {  	_ =	shalt  }
0x48: {  	_ =	shalt  }
0x49: {  	_ =	shalt  }
0x4a: {  	_ =	shalt  }
0x4b: {  	_ =	shalt  }
0x4c: {  	_ =	shalt  }
0x4d: {  	_ =	shalt  }
0x4e: {  	_ =	shalt  }
0x4f: {  	_ =	shalt  }
0x50: {  	_ =	shalt  }
0x51: {  	_ =	shalt  }
0x52: {  	_ =	shalt  }
0x53: {  	_ =	shalt  }
0x54: {  	_ =	shalt  }
0x55: {  	_ =	shalt  }
0x56: {  	_ =	shalt  }
0x57: {  	_ =	shalt  }
0x58: {  	_ =	shalt  }
0x59: {  	_ =	shalt  }
0x5a: {  	_ =	shalt  }
0x5b: {  	_ =	shalt  }
0x5c: {  	_ =	shalt  }
0x5d: {  	_ =	shalt  }
0x5e: {  	_ =	shalt  }
0x5f: {  	_ =	shalt  }
0x60: {  	_ =	shalt  }
0x61: {  	_ =	shalt  }
0x62: {  	_ =	shalt  }
0x63: {  	_ =	shalt  }
0x64: {  	_ =	shalt  }
0x65: {  	_ =	shalt  }
0x66: {  	_ =	shalt  }
0x67: {  	_ =	shalt  }
0x68: {  	_ =	shalt  }
0x69: {  	_ =	shalt  }
0x6a: {  	_ =	shalt  }
0x6b: {  	_ =	shalt  }
0x6c: {  	_ =	shalt  }
0x6d: {  	_ =	shalt  }
0x6e: {  	_ =	shalt  }
0x6f: {  	_ =	shalt  }
0x70: {  	_ =	shalt  }
0x71: {  	_ =	shalt  }
0x72: {  	_ =	shalt  }
0x73: {  	_ =	shalt  }
0x74: {  	_ =	shalt  }
0x75: {  	_ =	shalt  }
0x76: {  	_ =	shalt  }
0x77: {  	_ =	shalt  }
0x78: {  	_ =	shalt  }
0x79: {  	_ =	shalt  }
0x7a: {  	_ =	shalt  }
0x7b: {  	_ =	shalt  }
0x7c: {  	_ =	shalt  }
0x7d: {  	_ =	shalt  }
0x7e: {  	_ =	shalt  }
0x7f: {  	_ =	shalt  }
0x80: {  	_ =	shalt  }
0x81: {  	_ =	shalt  }
0x82: {  	_ =	shalt  }
0x83: {  	_ =	shalt  }
0x84: {  	_ =	shalt  }
0x85: {  	_ =	shalt  }
0x86: {  	_ =	shalt  }
0x87: {  	_ =	shalt  }
.Lfunc_end0:
.L_simem_size_0:
called_computation_lowered:
.L_overlay_start_0:
0x88: {  	s2 =	sld [smem:$0x3FD9]  }
0x89: {  	s3 =	sld [smem:$0x3FFE];
	_ =	sdelay $0x1  }
0x8a: {  	s1 =	srdreg.scid  }
0x8b: {  	s0 =	sand.u32 $0x1, s1  }
0x8c: {  	s17 =	sshll.u32 s0, $0xA;
	s2 =	sadd.s32 s3, s2  }
0x8d: {  	s2 =	sadd.s32 s2, s17  }
0x8e: {  	[smem:$0x3FC3] =	sst s2  }
0x8f: {  	_ = 	snop  }
0x90: {  	s2 =	sld [smem:$0x3FD0];
	(tm) =	ssettm $0x1  }
0x91: {  	s18 =	sld [smem:$0x3FFB];
	_ =	sdelay $0x3  }
0x92: {  	_ =	strace s18  }
0x93: {  	s3 =	sld [smem:$0x3FFC];
	_ =	sdelay $0x3  }
0x94: {  	_ =	strace s3  }
0x95: {  	s3 =	sld [smem:$0x3FFD];
	_ =	sdelay $0x3  }
0x96: {  	_ =	strace s3  }
0x97: {  	_ =	strace $0x8FFFFFFF  }
0x98: {  	s19 =	sld [smem:$0x3FDB];
	_ =	sdelay $0x1  }
0x99: {  	s4 =	simm.s32 $_scs_section_size  }
0x9a: {  	s5 =	simm.s32 $_size__tile_overlayer_lowered;
	s6 =	simm.s32 $_tile_overlayer_lowered  }
0x9b: {  	s22 =	simm.s32 $0x1BFF;
	s21 =	sshll.u32 s6, $0x1;
	s3 =	sadd.s32 s4, s19  }
0x9c: {  	s7 =	simm.s32 $0x0;
	s20 =	sshll.u32 s5, $0x1;
	s5 =	sadd.s32 s21, s3  }
0x9d: {  	[timem:s7], [sflag:s22] =	dma.local [hbm:s5], s20  }
0x9e: {  	_ =	swait.ge [sflag:s22], s20  }
0x9f: {  	s4 =	ssub.s32 $0x0, s20;
	[sflag:s22] =	ssyncset.done $0x0  }
0xa0: {  	[sflag:s22] =	ssyncadd.s32 s4;
	_ =	sdelay $0x1  }
0xa1: {  	s23 =	simm.s32 $0x1B8B  }
0xa2: {  	_ =	swait.ge [sflag:s23], $0x1  }
0xa3: {  	[sflag:s23] =	ssyncset.done $0x0  }
0xa4: {  	s25 =	simm.s32 $0x1B8E;
	s24 =	sld [smem:$0x3FFE];
	[sflag:s23] =	ssyncadd.s32 $0xFFFFFFFF  }
0xa5: {  	s26 =	simm.s32 $execute0_lowered;
	[smem:$0x3FD2] =	sst s25  }
0xa6: {  	s5 =	sshll.u32 s26, $0x1;
	_ =	strace $0x80000046;
	[dreg:$0x1] =	wrdreg $0xFFFFFFFF  }
0xa7: {  	s28 =	simm.s32 $_size_execute0_lowered;
	s3 =	sadd.s32 s3, s5;
	[dreg:$0x0] =	wrdreg $0x0  }
0xa8: {  	s5 =	sshll.u32 s28, $0x1;
	[dreg:$0x2] =	wrdreg s3  }
0xa9: {  	[dreg:$0x3] =	wrdreg s5  }
0xaa: {  	[dreg:$0x4] =	wrdreg $0xC0  }
0xab: {  	_ =	task [dreg:s7], $0x5FFFF  }
0xac: {  	[dreg:$0x1] =	wrdreg $0xFFFFFFFF  }
0xad: {  	[dreg:$0x0] =	wrdreg $0x60  }
0xae: {  	[dreg:$0x2] =	wrdreg s24  }
0xaf: {  	[dreg:$0x3] =	wrdreg s2  }
0xb0: {  	[dreg:$0x4] =	wrdreg $0x29000  }
0xb1: {  	[dreg:$0x5] =	wrdreg $0x9  }
0xb2: {  	_ =	task.clear_ibuf [dreg:s7], $0x6FFFF;
	_ =	strace $0x90000046  }
0xb3: {  	s29 =	simm.s32 $0x9;
	_ =	strace $0x80000048  }
0xb4: {  	_ =	swait.ge [sflag:s29], $0x1  }
0xb5: {  	[sflag:s29] =	ssyncadd.s32 $0xFFFFFFFF  }
0xb6: {  	_ =	strace $0x90000048  }
0xb7: {  	_ =	sfence  }
0xb8: {  	s30 =	sld [smem:$0x0];
	_ =	sdelay $0x2  }
0xb9: {  	s31 =	sshll.u32 s1, $0xD;
	s1 =	sshrl.u32 s1, $0x2  }
0xba: {  	s3 =	sand.u32 $0x4000, s31;
	s1 =	sadd.s32 s1, s30  }
0xbb: {  	s0 =	sor.u32 s3, s0;
	s1 =	sshll.u32 s1, $0x11  }
0xbc: {  	s0 =	sor.u32 s1, s0  }
0xbd: {  	s0 =	sadd.s32 $0x8F2B, s0  }
0xbe: {  	[sflag:s0] =	ssyncadd.remote.s32 $0x1  }
0xbf: {  	_ =	sfence.sel $0xFFFF  }
0xc0: {  	[dreg:$0x0] =	wrdreg $0xFFFFFFFF;
	(pc) =	sbr.abs _section_cstart, $3  }
0xc1: {  	[dreg:$0x1] =	wrdreg $0xFFFFFFFF  }
0xc2: {  	_ =	task.clear_ibuf [dreg:s7], $0x2FFFF;
	_ =	strace $0x9FFFFFFF  }
0xc3: {  	(tm) =	ssettm $0x7FFFFFFF  }
tec
execute0_lowered:
.L_overlay_start_1:
0x0: {  	(tag) =	ssettag $0x1  }
0x1: {  	s8 =	rddreg [dreg:$0x0]  }
0x2: {  	s17 =	rddreg [dreg:$0x1]  }
0x3: {  	s2 =	rddreg [dreg:$0x2]  }
0x4: {  	s0 =	rddreg [dreg:$0x3];
	s1 =	stileid.u32  }
0x5: {  	s4 =	srdreg.scid;
	s3 =	simm.s32 $0x0;
	s20 =	simm.s32 $0x2  }
0x6: {  	s21 =	simm.s32 $0x80;
	s22 =	simm.s32 $0x50;
	s18 =	smul.u32 $0x4E2, s1  }
0x7: {  	s23 =	simm.s32 $0x1;
	s9 =	sand.u32 $0x1, s4;
	s4 =	smul.u32 $0x278, s1  }
0x8: {  	s24 =	simm.s32 $0x0;
	[smem:$0x7FF] =	sst s3;
	s11 =	smul.u32 $0x4F000, s1  }
0x9: {  	s6 =	sadd.s32 $0xB000, s8;
	s7 =	sadd.s32 $0x5A000, s8;
	s5 =	smul.u32 $0x2780, s9  }
0xa: {  	_ =	strace $0x80000047;
	s9 =	ssub.s32 $0x2, s9;
	s19 =	sadd.s32 s18, s8  }
0xb: {  	s31 =	sshrl.u32 s9, $0x1;
	s11 =	sshrl.u32 s11, $0x2;
	s10 =	sadd.s32 s4, s5  }
0xc: {  	s17 =	sadd.s32 s18, s17;
	s12 =	ssub.s32 s9, s31;
	s10 =	sshll.u32 s10, $0x4  }
0xd: {  	s18 =	sadd.s32 $0x1200, s19;
	s19 =	simm.s32 $0x100;
	s10 =	sadd.s32 s10, s8  }
0xe: {  	s8 =	sadd.s32 s11, s2;
	s9 =	sadd.s32 $0xA9000, s10;
	s10 =	smax.u32 s12, $0x1  }
0xf: {  	s11 =	sadd.s32 $0x2800, s8;
	s12 =	sadd.s32 $0x5000, s8;
	s13 =	sadd.s32 $0x7800, s8  }
0x10: {  	v1 =	vimm.f32 $0.0e+00;
	v0 =	vmov s5;
	s14 =	sadd.s32 $0xA000, s8;
	s15 =	sadd.s32 $0xC800, s8;
	s16 =	sadd.s32 $0xF000, s8  }
.LBB2_1:
0x11: {  	s25 =	simm.s32 $0x0;
	s26 =	simm.s32 $0x200  }
.LBB2_2:
0x12: {  	p0 =	sne.s32 s26, $0x9E00;
	[tilespmem:s25+$0x170] =	vst v1  }
0x13: {  	[tilespmem:s25+$0x100] =	vst v1  }
0x14: {  	[tilespmem:s25+$0x110] =	vst v1  }
.Ltmp0:
0x15: {  	[tilespmem:s25+$0x120] =	vst v1;
	(pc) =	sbr.rel @p0 .LBB2_2-.Ltmp0, $4  }
0x16: {  	[tilespmem:s25+$0x130] =	vst v1  }
0x17: {  	[tilespmem:s25+$0x140] =	vst v1  }
0x18: {  	[tilespmem:s25+$0x150] =	vst v1  }
0x19: {  	[tilespmem:s25+$0x160] =	vst v1;
	s25 =	sshra.s32 s26, $0x2;
	s26 =	sadd.s32 $0x200, s26  }
0x1a: {  	[tilespmem:s25+$0x170] =	vst v1  }
0x1b: {  	[tilespmem:s25+$0x100] =	vst v1  }
0x1c: {  	[tilespmem:s25+$0x110] =	vst v1  }
0x1d: {  	[tilespmem:s25+$0x120] =	vst v1  }
0x1e: {  	[tilespmem:s25+$0x130] =	vst v1  }
0x1f: {  	[tilespmem:s25+$0x140] =	vst v1  }
0x20: {  	[tilespmem:s25+$0x150] =	vst v1  }
0x21: {  	[tilespmem:s25+$0x160] =	vst v1  }
0x22: {  	[spmem:s8] =	stream.linear.scatter [tilespmem:s19], [sflag:$0x2], $0x2800, $0x38;
	[tilespmem:$0x16500] =	vst v63  }
0x23: {  	_ =	swait.ge [sflag:s20], $0x2800  }
0x24: {  	[sflag:s20] =	ssyncset.done $0x0  }
0x25: {  	[sflag:s20] =	ssyncadd.s32 $0xFFFFD800  }
0x26: {  	[spmem:s11] =	stream.linear.scatter [tilespmem:s19], [sflag:$0x2], $0x2800, $0x38;
	[tilespmem:$0x16500] =	vst v63  }
0x27: {  	_ =	swait.ge [sflag:s20], $0x2800  }
0x28: {  	[sflag:s20] =	ssyncset.done $0x0  }
0x29: {  	[sflag:s20] =	ssyncadd.s32 $0xFFFFD800  }
0x2a: {  	[spmem:s12] =	stream.linear.scatter [tilespmem:s19], [sflag:$0x2], $0x2800, $0x38;
	[tilespmem:$0x16500] =	vst v63  }
0x2b: {  	_ =	swait.ge [sflag:s20], $0x2800  }
0x2c: {  	[sflag:s20] =	ssyncset.done $0x0  }
0x2d: {  	[sflag:s20] =	ssyncadd.s32 $0xFFFFD800  }
0x2e: {  	[spmem:s13] =	stream.linear.scatter [tilespmem:s19], [sflag:$0x2], $0x2800, $0x38;
	[tilespmem:$0x16500] =	vst v63  }
0x2f: {  	_ =	swait.ge [sflag:s20], $0x2800  }
0x30: {  	[sflag:s20] =	ssyncset.done $0x0  }
0x31: {  	[sflag:s20] =	ssyncadd.s32 $0xFFFFD800  }
0x32: {  	[spmem:s14] =	stream.linear.scatter [tilespmem:s19], [sflag:$0x2], $0x2800, $0x38;
	[tilespmem:$0x16500] =	vst v63  }
0x33: {  	_ =	swait.ge [sflag:s20], $0x2800  }
0x34: {  	[sflag:s20] =	ssyncset.done $0x0  }
0x35: {  	[sflag:s20] =	ssyncadd.s32 $0xFFFFD800  }
0x36: {  	[spmem:s15] =	stream.linear.scatter [tilespmem:s19], [sflag:$0x2], $0x2800, $0x38;
	[tilespmem:$0x16500] =	vst v63  }
0x37: {  	_ =	swait.ge [sflag:s20], $0x2800  }
0x38: {  	[sflag:s20] =	ssyncset.done $0x0  }
0x39: {  	[sflag:s20] =	ssyncadd.s32 $0xFFFFD800  }
0x3a: {  	[spmem:s16] =	stream.linear.scatter [tilespmem:s19], [sflag:$0x2], $0x2800, $0x38;
	[tilespmem:$0x16500] =	vst v63  }
0x3b: {  	_ =	swait.ge [sflag:s20], $0x2800  }
0x3c: {  	[sflag:s20] =	ssyncset.done $0x0  }
0x3d: {  	[sflag:s20] =	ssyncadd.s32 $0xFFFFD800  }
0x3e: {  	s31 =	sadd.s32 $0x0, s17;
	[bflag:$0x0] =	sbarrier.arrive $0xFFFF  }
0x3f: {  	[tilespmem:s3], [sflag:$0x2] =	stream.linear.gather [hbm4b:s31+s3], $0x50, $0x38;
	[tilespmem:$0x16500] =	vst v63  }
0x40: {  	_ =	swait.ge [sflag:s20], $0x50  }
0x41: {  	[sflag:s20] =	ssyncset.done $0x0  }
0x42: {  	s25 =	sadd.s32 $0x4E20, s31;
	[sflag:s20] =	ssyncadd.s32 $0xFFFFFFB0  }
0x43: {  	[tilespmem:s21], [sflag:$0x2] =	stream.linear.gather [hbm4b:s25+s3], $0x50, $0x38;
	[tilespmem:$0x16500] =	vst v63  }
0x44: {  	_ =	swait.ge [sflag:s20], $0x50  }
0x45: {  	[sflag:s20] =	ssyncset.done $0x0  }
0x46: {  	[sflag:s20] =	ssyncadd.s32 $0xFFFFFFB0  }
0x47: {  	v2 =	vld [tilespmem:$0x40]  }
0x48: {  	v3 =	vld [tilespmem:$0x20]  }
0x49: {  	v4 =	vld [tilespmem:$0x30]  }
0x4a: {  	v5 =	vld [tilespmem:$0x10]  }
0x4b: {  	v6 =	vld [tilespmem:$0x0]  }
0x4c: {  	v2 =	vadd.s32 v0, v2  }
0x4d: {  	v3 =	vadd.s32 v0, v3;
	[tilespmem:$0x40] =	vst v2  }
0x4e: {  	[tilespmem:$0x20] =	vst v3;
	v2 =	vadd.s32 v0, v4  }
0x4f: {  	v3 =	vadd.s32 v0, v5;
	[tilespmem:$0x30] =	vst v2  }
0x50: {  	v2 =	vadd.s32 v0, v6;
	[tilespmem:$0x10] =	vst v3  }
0x51: {  	[tilespmem:$0x0] =	vst v2  }
0x52: {  	[tilespmem:s19], [sflag:$0x1] =	stream.indirect.gather [hbm4b:s6+s22], $0x80, s3, s22, $0xb8;
	[tilespmem:$0x16500] =	vst v63  }
0x53: {  	_ =	swait.ge [sflag:s23], $0x2800  }
0x54: {  	s25 =	simm.s32 $0xA;
	[sflag:s23] =	ssyncset.done $0x0  }
.LBB2_4:
0x55: {  	p0 =	sne.s32 s25, $0x4D8  }
0x56: {  	[sflag:s23] =	ssyncadd.s32 $0xFFFFD800;
	s26 =	smov.u32 s25;
	s25 =	sadd.s32 $0xA, s25  }
0x57: {  	[spmem:s2] =	stream.indirect.scatter.add.f32 [tilespmem:s19], [sflag:$0x2], $0x80, s21, s22, $0xb8;
	[tilespmem:$0x16500] =	vst v63  }
0x58: {  	_ =	swait.ge [sflag:s20], $0x2800  }
0x59: {  	[sflag:s20] =	ssyncset.done $0x0  }
0x5a: {  	s26 =	sadd.s32 s26, s17;
	[sflag:s20] =	ssyncadd.s32 $0xFFFFD800  }
0x5b: {  	[tilespmem:s3], [sflag:$0x2] =	stream.linear.gather [hbm4b:s26+s3], $0x50, $0x38;
	[tilespmem:$0x16500] =	vst v63  }
0x5c: {  	_ =	swait.ge [sflag:s20], $0x50  }
0x5d: {  	[sflag:s20] =	ssyncset.done $0x0  }
0x5e: {  	s26 =	sadd.s32 $0x4E20, s26;
	[sflag:s20] =	ssyncadd.s32 $0xFFFFFFB0  }
0x5f: {  	[tilespmem:s21], [sflag:$0x2] =	stream.linear.gather [hbm4b:s26+s3], $0x50, $0x38;
	[tilespmem:$0x16500] =	vst v63  }
0x60: {  	_ =	swait.ge [sflag:s20], $0x50  }
0x61: {  	[sflag:s20] =	ssyncset.done $0x0  }
0x62: {  	[sflag:s20] =	ssyncadd.s32 $0xFFFFFFB0  }
0x63: {  	v2 =	vld [tilespmem:$0x40]  }
0x64: {  	v3 =	vld [tilespmem:$0x20]  }
0x65: {  	v4 =	vld [tilespmem:$0x30]  }
0x66: {  	v5 =	vld [tilespmem:$0x10]  }
0x67: {  	v6 =	vld [tilespmem:$0x0]  }
0x68: {  	v2 =	vadd.s32 v0, v2  }
0x69: {  	v3 =	vadd.s32 v0, v3;
	[tilespmem:$0x40] =	vst v2  }
0x6a: {  	[tilespmem:$0x20] =	vst v3;
	v2 =	vadd.s32 v0, v4  }
0x6b: {  	v3 =	vadd.s32 v0, v5;
	[tilespmem:$0x30] =	vst v2  }
.Ltmp1:
0x6c: {  	v2 =	vadd.s32 v0, v6;
	[tilespmem:$0x10] =	vst v3;
	(pc) =	sbr.rel @p0 .LBB2_4-.Ltmp1, $4  }
0x6d: {  	[tilespmem:$0x0] =	vst v2  }
0x6e: {  	[tilespmem:s19], [sflag:$0x1] =	stream.indirect.gather [hbm4b:s6+s22], $0x80, s3, s22, $0xb8;
	[tilespmem:$0x16500] =	vst v63  }
0x6f: {  	_ =	swait.ge [sflag:s23], $0x2800  }
0x70: {  	[sflag:s23] =	ssyncset.done $0x0  }
0x71: {  	[sflag:s23] =	ssyncadd.s32 $0xFFFFD800  }
0x72: {  	[spmem:s2] =	stream.indirect.scatter.add.f32 [tilespmem:s19], [sflag:$0x2], $0x80, s21, s22, $0xb8;
	[tilespmem:$0x16500] =	vst v63  }
0x73: {  	_ =	swait.ge [sflag:s20], $0x2800  }
0x74: {  	[sflag:s20] =	ssyncset.done $0x0  }
0x75: {  	[sflag:s20] =	ssyncadd.s32 $0xFFFFD800  }
0x76: {  	s25 =	simm.s32 $0x0;
	[bflag:$0x0] =	sbarrier.arrive $0xFFFF  }
.LBB2_6:
0x77: {  	s26 =	smul.u32 $0x50, s25;
	_ =	sdelay $0x1  }
0x78: {  	s26 =	sadd.s32 s4, s26  }
0x79: {  	s28 =	sshll.u32 s26, $0x7  }
0x7a: {  	s28 =	sand.u32 $0x3FFFFF80, s28  }
0x7b: {  	s28 =	sadd.s32 s28, s2  }
0x7c: {  	[tilespmem:s19], [sflag:$0x2] =	stream.linear.gather [spmem:s28], $0x2800, $0x38;
	[tilespmem:$0x16500] =	vst v63  }
0x7d: {  	_ =	swait.ge [sflag:s20], $0x2800  }
0x7e: {  	[sflag:s20] =	ssyncset.done $0x0  }
0x7f: {  	s28 =	simm.s32 $0x0;
	[sflag:s20] =	ssyncadd.s32 $0xFFFFD800  }
0x80: {  	v4 =	vld [tilespmem:s28+$0x100]  }
0x81: {  	v6 =	vld [tilespmem:s28+$0x110]  }
0x82: {  	v5 =	vld [tilespmem:s28+$0x120]  }
0x83: {  	v3 =	vld [tilespmem:s28+$0x130]  }
0x84: {  	v2 =	vld [tilespmem:s28+$0x140]  }
0x85: {  	v7 =	vmax.f32 v4, $0.0e+00;
	v4 =	vld [tilespmem:s28+$0x150]  }
0x86: {  	s29 =	simm.s32 $0x200;
	[tilespmem:s28+$0x100] =	vst v7;
	v7 =	vmax.f32 v6, $0.0e+00;
	v6 =	vld [tilespmem:s28+$0x160]  }
.LBB2_7:
0x87: {  	s30 =	sshra.s32 s29, $0x2;
	p0 =	sne.s32 s29, $0x9E00;
	[tilespmem:s28+$0x110] =	vst v7;
	v5 =	vmax.f32 v5, $0.0e+00;
	v7 =	vld [tilespmem:s28+$0x170]  }
0x88: {  	v8 =	vld [tilespmem:s30+$0x100];
	[tilespmem:s28+$0x120] =	vst v5;
	v3 =	vmax.f32 v3, $0.0e+00  }
0x89: {  	v9 =	vld [tilespmem:s30+$0x110];
	[tilespmem:s28+$0x130] =	vst v3;
	v2 =	vmax.f32 v2, $0.0e+00  }
.Ltmp2:
0x8a: {  	v5 =	vld [tilespmem:s30+$0x120];
	[tilespmem:s28+$0x140] =	vst v2;
	v2 =	vmax.f32 v4, $0.0e+00;
	(pc) =	sbr.rel @p0 .LBB2_7-.Ltmp2, $4  }
0x8b: {  	v3 =	vld [tilespmem:s30+$0x130];
	[tilespmem:s28+$0x150] =	vst v2;
	v4 =	vmax.f32 v6, $0.0e+00  }
0x8c: {  	v2 =	vld [tilespmem:s30+$0x140];
	[tilespmem:s28+$0x160] =	vst v4;
	v6 =	vmax.f32 v7, $0.0e+00  }
0x8d: {  	v7 =	vmax.f32 v8, $0.0e+00;
	v4 =	vld [tilespmem:s30+$0x150];
	[tilespmem:s28+$0x170] =	vst v6;
	s28 =	smov.u32 s30  }
0x8e: {  	s29 =	sadd.s32 $0x200, s29;
	[tilespmem:s28+$0x100] =	vst v7;
	v7 =	vmax.f32 v9, $0.0e+00;
	v6 =	vld [tilespmem:s28+$0x160]  }
0x8f: {  	[tilespmem:s28+$0x110] =	vst v7;
	v5 =	vmax.f32 v5, $0.0e+00;
	v63 =	vld [tilespmem:s28+$0x170]  }
0x90: {  	[tilespmem:s28+$0x120] =	vst v5;
	v3 =	vmax.f32 v3, $0.0e+00  }
0x91: {  	[tilespmem:s28+$0x130] =	vst v3;
	v2 =	vmax.f32 v2, $0.0e+00  }
0x92: {  	[tilespmem:s28+$0x140] =	vst v2;
	v2 =	vmax.f32 v4, $0.0e+00  }
0x93: {  	s26 =	sadd.s32 s5, s26;
	s25 =	sadd.s32 $0x1, s25;
	[tilespmem:s28+$0x150] =	vst v2;
	v2 =	vmax.f32 v6, $0.0e+00  }
0x94: {  	s26 =	sshll.u32 s26, $0x4;
	p0 =	seq.s32 s25, $0x7;
	[tilespmem:s28+$0x160] =	vst v2;
	v2 =	vmax.f32 v63, $0.0e+00  }
.Ltmp3:
0x95: {  	s31 =	sadd.s32 s7, s26;
	s26 =	simm.s32 $0x0;
	[tilespmem:s28+$0x170] =	vst v2;
	(pc) =	sbr.rel @!p0 .LBB2_6-.Ltmp3, $4  }
0x96: {  	[hbm4b:s31+s26] =	stream.linear.scatter [tilespmem:s19], [sflag:$0x2], $0x2800, $0x38;
	[tilespmem:$0x16500] =	vst v63  }
0x97: {  	_ =	swait.ge [sflag:s20], $0x2800  }
0x98: {  	[sflag:s20] =	ssyncset.done $0x0  }
0x99: {  	[sflag:s20] =	ssyncadd.s32 $0xFFFFD800  }
0x9a: {  	s25 =	sshra.s32 s26, $0x2;
	s26 =	sadd.s32 $0x200, s26  }
.LBB2_10:
0x9b: {  	p0 =	seq.s32 s26, $0x9E00;
	[tilespmem:s25+$0x170] =	vst v1  }
0x9c: {  	[tilespmem:s25+$0x100] =	vst v1  }
0x9d: {  	[tilespmem:s25+$0x110] =	vst v1  }
.Ltmp4:
0x9e: {  	[tilespmem:s25+$0x120] =	vst v1;
	(pc) =	sbr.rel @!p0 .LBB2_10-.Ltmp4, $4  }
0x9f: {  	[tilespmem:s25+$0x130] =	vst v1  }
0xa0: {  	[tilespmem:s25+$0x140] =	vst v1  }
0xa1: {  	[tilespmem:s25+$0x150] =	vst v1  }
0xa2: {  	[tilespmem:s25+$0x160] =	vst v1;
	s25 =	sshra.s32 s26, $0x2;
	s26 =	sadd.s32 $0x200, s26  }
0xa3: {  	[tilespmem:s25+$0x170] =	vst v1  }
0xa4: {  	[tilespmem:s25+$0x100] =	vst v1  }
0xa5: {  	[tilespmem:s25+$0x110] =	vst v1  }
0xa6: {  	[tilespmem:s25+$0x120] =	vst v1  }
0xa7: {  	[tilespmem:s25+$0x130] =	vst v1  }
0xa8: {  	[tilespmem:s25+$0x140] =	vst v1  }
0xa9: {  	[tilespmem:s25+$0x150] =	vst v1  }
0xaa: {  	[tilespmem:s25+$0x160] =	vst v1  }
0xab: {  	[spmem:s8] =	stream.linear.scatter [tilespmem:s19], [sflag:$0x2], $0x2800, $0x38;
	[tilespmem:$0x16500] =	vst v63  }
0xac: {  	_ =	swait.ge [sflag:s20], $0x2800  }
0xad: {  	[sflag:s20] =	ssyncset.done $0x0  }
0xae: {  	[sflag:s20] =	ssyncadd.s32 $0xFFFFD800  }
0xaf: {  	[spmem:s11] =	stream.linear.scatter [tilespmem:s19], [sflag:$0x2], $0x2800, $0x38;
	[tilespmem:$0x16500] =	vst v63  }
0xb0: {  	_ =	swait.ge [sflag:s20], $0x2800  }
0xb1: {  	[sflag:s20] =	ssyncset.done $0x0  }
0xb2: {  	[sflag:s20] =	ssyncadd.s32 $0xFFFFD800  }
0xb3: {  	[spmem:s12] =	stream.linear.scatter [tilespmem:s19], [sflag:$0x2], $0x2800, $0x38;
	[tilespmem:$0x16500] =	vst v63  }
0xb4: {  	_ =	swait.ge [sflag:s20], $0x2800  }
0xb5: {  	[sflag:s20] =	ssyncset.done $0x0  }
0xb6: {  	[sflag:s20] =	ssyncadd.s32 $0xFFFFD800  }
0xb7: {  	[spmem:s13] =	stream.linear.scatter [tilespmem:s19], [sflag:$0x2], $0x2800, $0x38;
	[tilespmem:$0x16500] =	vst v63  }
0xb8: {  	_ =	swait.ge [sflag:s20], $0x2800  }
0xb9: {  	[sflag:s20] =	ssyncset.done $0x0  }
0xba: {  	[sflag:s20] =	ssyncadd.s32 $0xFFFFD800  }
0xbb: {  	[spmem:s14] =	stream.linear.scatter [tilespmem:s19], [sflag:$0x2], $0x2800, $0x38;
	[tilespmem:$0x16500] =	vst v63  }
0xbc: {  	_ =	swait.ge [sflag:s20], $0x2800  }
0xbd: {  	[sflag:s20] =	ssyncset.done $0x0  }
0xbe: {  	[sflag:s20] =	ssyncadd.s32 $0xFFFFD800  }
0xbf: {  	[spmem:s15] =	stream.linear.scatter [tilespmem:s19], [sflag:$0x2], $0x2800, $0x38;
	[tilespmem:$0x16500] =	vst v63  }
0xc0: {  	_ =	swait.ge [sflag:s20], $0x2800  }
0xc1: {  	[sflag:s20] =	ssyncset.done $0x0  }
0xc2: {  	[sflag:s20] =	ssyncadd.s32 $0xFFFFD800  }
0xc3: {  	[spmem:s16] =	stream.linear.scatter [tilespmem:s19], [sflag:$0x2], $0x2800, $0x38;
	[tilespmem:$0x16500] =	vst v63  }
0xc4: {  	_ =	swait.ge [sflag:s20], $0x2800  }
0xc5: {  	[sflag:s20] =	ssyncset.done $0x0  }
0xc6: {  	[sflag:s20] =	ssyncadd.s32 $0xFFFFD800  }
0xc7: {  	s31 =	sadd.s32 $0x0, s18;
	[bflag:$0x0] =	sbarrier.arrive $0xFFFF  }
0xc8: {  	[tilespmem:s3], [sflag:$0x2] =	stream.linear.gather [hbm4b:s31+s3], $0x50, $0x38;
	[tilespmem:$0x16500] =	vst v63  }
0xc9: {  	_ =	swait.ge [sflag:s20], $0x50  }
0xca: {  	[sflag:s20] =	ssyncset.done $0x0  }
0xcb: {  	s25 =	sadd.s32 $0x4E20, s31;
	[sflag:s20] =	ssyncadd.s32 $0xFFFFFFB0  }
0xcc: {  	[tilespmem:s21], [sflag:$0x2] =	stream.linear.gather [hbm4b:s25+s3], $0x50, $0x38;
	[tilespmem:$0x16500] =	vst v63  }
0xcd: {  	_ =	swait.ge [sflag:s20], $0x50  }
0xce: {  	[sflag:s20] =	ssyncset.done $0x0  }
0xcf: {  	[sflag:s20] =	ssyncadd.s32 $0xFFFFFFB0  }
0xd0: {  	v2 =	vld [tilespmem:$0x40]  }
0xd1: {  	v3 =	vld [tilespmem:$0x20]  }
0xd2: {  	v4 =	vld [tilespmem:$0x30]  }
0xd3: {  	v5 =	vld [tilespmem:$0x10]  }
0xd4: {  	v6 =	vld [tilespmem:$0x0]  }
0xd5: {  	v2 =	vadd.s32 v0, v2  }
0xd6: {  	v3 =	vadd.s32 v0, v3;
	[tilespmem:$0x40] =	vst v2  }
0xd7: {  	[tilespmem:$0x20] =	vst v3;
	v2 =	vadd.s32 v0, v4  }
0xd8: {  	v3 =	vadd.s32 v0, v5;
	[tilespmem:$0x30] =	vst v2  }
0xd9: {  	v2 =	vadd.s32 v0, v6;
	[tilespmem:$0x10] =	vst v3  }
0xda: {  	[tilespmem:$0x0] =	vst v2  }
0xdb: {  	[tilespmem:s19], [sflag:$0x1] =	stream.indirect.gather [hbm4b:s7+s22], $0x80, s3, s22, $0xb8;
	[tilespmem:$0x16500] =	vst v63  }
0xdc: {  	_ =	swait.ge [sflag:s23], $0x2800  }
0xdd: {  	s25 =	simm.s32 $0xA;
	[sflag:s23] =	ssyncset.done $0x0  }
.LBB2_12:
0xde: {  	p0 =	sne.s32 s25, $0x4D8  }
0xdf: {  	[sflag:s23] =	ssyncadd.s32 $0xFFFFD800;
	s26 =	smov.u32 s25;
	s25 =	sadd.s32 $0xA, s25  }
0xe0: {  	[spmem:s2] =	stream.indirect.scatter.add.f32 [tilespmem:s19], [sflag:$0x2], $0x80, s21, s22, $0xb8;
	[tilespmem:$0x16500] =	vst v63  }
0xe1: {  	_ =	swait.ge [sflag:s20], $0x2800  }
0xe2: {  	[sflag:s20] =	ssyncset.done $0x0  }
0xe3: {  	s26 =	sadd.s32 s26, s18;
	[sflag:s20] =	ssyncadd.s32 $0xFFFFD800  }
0xe4: {  	[tilespmem:s3], [sflag:$0x2] =	stream.linear.gather [hbm4b:s26+s3], $0x50, $0x38;
	[tilespmem:$0x16500] =	vst v63  }
0xe5: {  	_ =	swait.ge [sflag:s20], $0x50  }
0xe6: {  	[sflag:s20] =	ssyncset.done $0x0  }
0xe7: {  	s26 =	sadd.s32 $0x4E20, s26;
	[sflag:s20] =	ssyncadd.s32 $0xFFFFFFB0  }
0xe8: {  	[tilespmem:s21], [sflag:$0x2] =	stream.linear.gather [hbm4b:s26+s3], $0x50, $0x38;
	[tilespmem:$0x16500] =	vst v63  }
0xe9: {  	_ =	swait.ge [sflag:s20], $0x50  }
0xea: {  	[sflag:s20] =	ssyncset.done $0x0  }
0xeb: {  	[sflag:s20] =	ssyncadd.s32 $0xFFFFFFB0  }
0xec: {  	v2 =	vld [tilespmem:$0x40]  }
0xed: {  	v3 =	vld [tilespmem:$0x20]  }
0xee: {  	v4 =	vld [tilespmem:$0x30]  }
0xef: {  	v5 =	vld [tilespmem:$0x10]  }
0xf0: {  	v6 =	vld [tilespmem:$0x0]  }
0xf1: {  	v2 =	vadd.s32 v0, v2  }
0xf2: {  	v3 =	vadd.s32 v0, v3;
	[tilespmem:$0x40] =	vst v2  }
0xf3: {  	[tilespmem:$0x20] =	vst v3;
	v2 =	vadd.s32 v0, v4  }
0xf4: {  	v3 =	vadd.s32 v0, v5;
	[tilespmem:$0x30] =	vst v2  }
.Ltmp5:
0xf5: {  	v2 =	vadd.s32 v0, v6;
	[tilespmem:$0x10] =	vst v3;
	(pc) =	sbr.rel @p0 .LBB2_12-.Ltmp5, $4  }
0xf6: {  	[tilespmem:$0x0] =	vst v2  }
0xf7: {  	[tilespmem:s19], [sflag:$0x1] =	stream.indirect.gather [hbm4b:s7+s22], $0x80, s3, s22, $0xb8;
	[tilespmem:$0x16500] =	vst v63  }
0xf8: {  	_ =	swait.ge [sflag:s23], $0x2800  }
0xf9: {  	[sflag:s23] =	ssyncset.done $0x0  }
0xfa: {  	[sflag:s23] =	ssyncadd.s32 $0xFFFFD800  }
0xfb: {  	[spmem:s2] =	stream.indirect.scatter.add.f32 [tilespmem:s19], [sflag:$0x2], $0x80, s21, s22, $0xb8;
	[tilespmem:$0x16500] =	vst v63  }
0xfc: {  	_ =	swait.ge [sflag:s20], $0x2800  }
0xfd: {  	s25 =	sshll.u32 s1, $0x6;
	s24 =	sadd.s32 $0x1, s24;
	[sflag:s20] =	ssyncset.done $0x0  }
0xfe: {  	s26 =	sshrl.u32 s8, $0x3;
	p0 =	sne.s32 s24, s10;
	[sflag:s20] =	ssyncadd.s32 $0xFFFFD800  }
.Ltmp6:
0xff: {  	s25 =	sor.u32 $0x1C02, s25;
	[bflag:$0x0] =	sbarrier.arrive $0xFFFF;
	(pc) =	sbr.rel @p0 .LBB2_1-.Ltmp6, $4  }
0x100: {  	[hbm:s9], [sflag:s25] =	dma.local [spmem:s26], $0x2780  }
0x101: {  	_ =	swait.ge [sflag:s20], $0x2780  }
0x102: {  	[sflag:s20] =	ssyncset.done $0x0  }
0x103: {  	[sflag:s20] =	ssyncadd.s32 $0xFFFFD880  }
0x104: {  	_ =	sfence.sel $0x180000  }
0x105: {  	[bflag:$0x0] =	sbarrier.arrive $0xFFFF  }
0x106: {  	p0 =	sne.s32 s1, $0x0;
	_ =	strace $0x90000047  }
0x107: {  	s0 =	sadd.s32 @!p0 $0x100000, s0;
	[bflag:$0x2] =	sbarrier.arrive $0xFFFF  }
0x108: {  	[sflag:s0] =	ssyncadd.tile.s32 @!p0 $0x1;
	_ =	shalt  }
.Lfunc_end2:
_tile_overlayer_lowered:
.L_overlay_start_2:
0x109: {  	(tag) =	ssettag $0x2  }
0x10a: {  	s0 =	rddreg [dreg:$0x0];
	s2 =	stileid.u32  }
0x10b: {  	s1 =	rddreg [dreg:$0x1];
	p0 =	sne.s32 s2, $0x0  }
0x10c: {  	s3 =	rddreg [dreg:$0x2];
	[bflag:$0x3] =	sbarrier.arrive $0xFFFF;
	s2 =	simm.s32 @!p0 $0x1C02  }
0x10d: {  	[timem:s3], [sflag:s2] =	dma.local @!p0 [hbm:s0], s1  }
0x10e: {  	s0 =	simm.s32 @!p0 $0x2  }
0x10f: {  	_ =	swait.ge @!p0 [sflag:s0], s1  }
0x110: {  	s1 =	ssub.s32 @!p0 $0x0, s1;
	[sflag:s0] =	ssyncset.done @!p0 $0x0  }
0x111: {  	[sflag:s0] =	ssyncadd.s32 @!p0 s1  }
0x112: {  	[bflag:$0x3] =	sbarrier.arrive $0xFFFF  }
0x113: {  	_ =	shalt  }

</sc_bundles>
